<compile_context>
chip_gen: v7x
topology: tpu7x:2x2x1
jax: 0.10.2.dev20260603
libtpu: 0.0.44.dev20260713+nightly
codegen_flags: <defaults>
</compile_context>

<pallas_src>
import functools

import jax
import jax.numpy as jnp
from jax import lax
from jax.experimental import pallas as pl
from jax.experimental.pallas import tpu as pltpu
from jax.experimental.pallas import tpu_sc as plsc

G = 8
_NC = 2
_NS = 16
_NW = _NC * _NS
BT = 256
BN = 1024


def _grouped_body(rows, grps, firsts, starts, ends,
                  x_ref, qw0, qw1, s0, s1, bw, bias_ref, out_ref,
                  xbf, wbf):
    c = pl.program_id(0)
    w = pl.program_id(1)
    g = grps[w]
    r = rows[w]
    first = firsts[w]
    start = starts[w]
    end = ends[w]
    nc_s = pl.num_programs(0) // 2

    @pl.when((c == 0) & (w == 0))
    def _():
        xbf[...] = x_ref[...].astype(jnp.bfloat16)

    prev_g = grps[jnp.maximum(w - 1, 0)]
    new_w = (w == 0) | (g != prev_g)

    @pl.when(new_w & (c < nc_s))
    def _():
        scale = s0[0, 0, 0, :]
        wbf[...] = (bw[...] + scale[:, None] *
                    (qw0[0] - 8).astype(jnp.float32)).astype(jnp.bfloat16)

    @pl.when(new_w & (c >= nc_s))
    def _():
        scale = s1[0, 0, 0, :]
        wbf[...] = (bw[...] + scale[:, None] *
                    (qw1[0] - 8).astype(jnp.float32)).astype(jnp.bfloat16)

    row_ids = r * BT + lax.broadcasted_iota(jnp.int32, (BT, 1), 0)
    mask = (row_ids >= start) & (row_ids < end)
    xb = jnp.where(mask, xbf[pl.ds(r * BT, BT), :], jnp.bfloat16(0))
    contrib = lax.dot_general(xb, wbf[...], (((1,), (1,)), ((), ())),
                              preferred_element_type=jnp.float32)

    @pl.when(first == 1)
    def _():
        out_ref[...] = contrib + bias_ref[0]

    @pl.when(first == 0)
    def _():
        out_ref[...] += contrib


def _routing_metadata(sizes, T, nt):
    W = nt + G - 1
    off = jnp.concatenate([jnp.zeros(1, jnp.int32), jnp.cumsum(sizes)])
    start_t = off[:-1] // BT
    end_t = jnp.where(sizes > 0, (off[1:] - 1) // BT, start_t - 1)
    tiles = jnp.maximum(end_t - start_t + 1, 0)
    cum = jnp.cumsum(tiles)
    wids = jnp.arange(W, dtype=jnp.int32)
    gid = jnp.searchsorted(cum, wids, side='right').astype(jnp.int32)
    gid_c = jnp.minimum(gid, G - 1)
    prev_cum = jnp.where(gid_c > 0, cum[gid_c - 1], 0)
    rid = start_t[gid_c] + (wids - prev_cum)
    valid = wids < cum[-1]
    rid = jnp.where(valid, rid, nt - 1).astype(jnp.int32)
    gcl = jnp.where(valid, gid_c, G - 1).astype(jnp.int32)
    st = jnp.where(valid, off[gcl], 0).astype(jnp.int32)
    en = jnp.where(valid, off[gcl + 1], 0).astype(jnp.int32)
    first = jnp.concatenate([jnp.ones(1, jnp.int32),
                             (rid[1:] != rid[:-1]).astype(jnp.int32)])
    return rid, gcl, first, st, en, off


def _sc_row_gather(table, idx, n_chunks, nbuf):
    B = idx.shape[0]
    D = table.shape[1]
    b_per_w = B // _NW
    b_per_c = b_per_w // n_chunks
    mesh = plsc.VectorSubcoreMesh(core_axis_name="c", subcore_axis_name="s")


    @functools.partial(
        pl.kernel, mesh=mesh,
        out_type=jax.ShapeDtypeStruct((B, D), table.dtype),
        scratch_types=(
            [pltpu.VMEM((b_per_w,), jnp.int32)] +
            [pltpu.VMEM((b_per_c, D), table.dtype) for _ in range(nbuf)] +
            [pltpu.SemaphoreType.DMA for _ in range(2 * nbuf)]
        ),
    )
    def k(table_hbm, idx_hbm, out_hbm, idx_all, *bufs_sems):
        bufs = bufs_sems[:nbuf]
        gsem = bufs_sems[nbuf:2 * nbuf]
        ssem = bufs_sems[2 * nbuf:]
        wid = lax.axis_index("s") * _NC + lax.axis_index("c")
        base = wid * b_per_w
        pltpu.sync_copy(idx_hbm.at[pl.ds(base, b_per_w)], idx_all)
        gathers = [None] * n_chunks
        stores = [None] * n_chunks

        def _drain(d):
            gathers[d].wait()
            stores[d] = pltpu.async_copy(
                bufs[d % nbuf],
                out_hbm.at[pl.ds(base + d * b_per_c, b_per_c)],
                ssem[d % nbuf])

        for ch in range(n_chunks):
            b = ch % nbuf
            if ch >= nbuf:
                stores[ch - nbuf].wait()
            gathers[ch] = pltpu.async_copy(
                table_hbm.at[idx_all.at[pl.ds(ch * b_per_c, b_per_c)]],
                bufs[b], gsem[b])
            if ch >= nbuf - 1:
                _drain(ch - (nbuf - 1))
        for d in range(max(0, n_chunks - (nbuf - 1)), n_chunks):
            _drain(d)
        for d in range(max(0, n_chunks - nbuf), n_chunks):
            stores[d].wait()

    return k(table, idx)



@jax.jit
def kernel(x, base_W, bias, qweight0, qweight1, scales0, scales1, indices):
    T, D = x.shape
    NOUT = base_W.shape[0]
    SL = NOUT // 2
    nt = T // BT
    W = nt + G - 1
    nc = NOUT // BN
    nc_s = SL // BN

    onehot = (indices[:, None] == jnp.arange(G)[None, :]).astype(jnp.int32)
    sizes = jnp.sum(onehot, axis=0)
    rank = (jnp.cumsum(onehot, axis=0) - onehot)[jnp.arange(T), indices]
    rid, gcl, first, st, en, off = _routing_metadata(sizes, T, nt)
    pos = off[indices] + rank
    src = jnp.zeros((T,), jnp.int32).at[pos].set(
        jnp.arange(T, dtype=jnp.int32), unique_indices=True)
    x_s = _sc_row_gather(x, src, n_chunks=4, nbuf=4)

    s0r = scales0.reshape(G, nc_s, 1, BN)
    s1r = scales1.reshape(G, nc_s, 1, BN)
    bias_r = bias.reshape(nc, 1, BN)

    grid_spec = pltpu.PrefetchScalarGridSpec(
        num_scalar_prefetch=5,
        grid=(nc, W),
        in_specs=[
            pl.BlockSpec((T, D), lambda c, w, *s: (0, 0)),
            pl.BlockSpec((1, BN, D),
                         lambda c, w, rows, grps, *s: (
                             jnp.where(c < nc_s, grps[w], 0),
                             jnp.where(c < nc_s, c, 0), 0)),
            pl.BlockSpec((1, BN, D),
                         lambda c, w, rows, grps, *s: (
                             jnp.where(c >= nc_s, grps[w], 0),
                             jnp.where(c >= nc_s, c - nc_s, 0), 0)),
            pl.BlockSpec((1, 1, 1, BN),
                         lambda c, w, rows, grps, *s: (
                             jnp.where(c < nc_s, grps[w], 0),
                             jnp.where(c < nc_s, c, 0), 0, 0)),
            pl.BlockSpec((1, 1, 1, BN),
                         lambda c, w, rows, grps, *s: (
                             jnp.where(c >= nc_s, grps[w], 0),
                             jnp.where(c >= nc_s, c - nc_s, 0), 0, 0)),
            pl.BlockSpec((BN, D), lambda c, w, *s: (c, 0)),
            pl.BlockSpec((1, 1, BN), lambda c, w, *s: (c, 0, 0)),
        ],
        out_specs=pl.BlockSpec((BT, BN), lambda c, w, rows, *s: (rows[w], c)),
        scratch_shapes=[
            pltpu.VMEM((T, D), jnp.bfloat16),
            pltpu.VMEM((BN, D), jnp.bfloat16),
        ],
    )

    out_s = pl.pallas_call(
        _grouped_body,
        grid_spec=grid_spec,
        out_shape=jax.ShapeDtypeStruct((T, NOUT), jnp.float32),
        compiler_params=pltpu.CompilerParams(
            dimension_semantics=("arbitrary", "arbitrary")),
    )(rid, gcl, first, st, en,
      x_s, qweight0, qweight1, s0r, s1r, base_W, bias_r)

    return jnp.take(out_s, pos, axis=0)

# --- scband reference (transcript-rebuilt; emitter-appended) ---
"""Pipeline reference for scband-merged-column-parallel-linear-with-delta-28973849379100 (READ-ONLY COPY).

The authoritative reference and input builder live on the scoring server;
editing this copy changes nothing except your own understanding.
"""

import jax, jax.numpy as jnp
import numpy as np

MAX_DELTAS = 8
T = 2048
D_IN = 768
SLICE = 2048


def setup_inputs(seed: int = 0) -> dict:
    key = jax.random.key(seed)
    ks = jax.random.split(key, 8)
    x = jax.random.normal(ks[0], (T, D_IN), dtype=jnp.float32)
    # merged gate_up base weight: [2*SLICE, D_IN] (torch Linear convention: out x in)
    base_W = jax.random.normal(ks[1], (2 * SLICE, D_IN), dtype=jnp.float32) * 0.02
    bias = jnp.zeros((2 * SLICE,), dtype=jnp.float32)
    # stacked quantized delta weights per slice (4-bit values stored unpacked in int32)
    qweight0 = jax.random.randint(ks[2], (MAX_DELTAS, SLICE, D_IN), 0, 16, dtype=jnp.int32)
    qweight1 = jax.random.randint(ks[3], (MAX_DELTAS, SLICE, D_IN), 0, 16, dtype=jnp.int32)
    # per-output-channel scales per delta (fp32 stand-in for fp16 scales_stacked)
    scales0 = jax.random.uniform(ks[4], (MAX_DELTAS, SLICE, 1), dtype=jnp.float32) * 0.01
    scales1 = jax.random.uniform(ks[5], (MAX_DELTAS, SLICE, 1), dtype=jnp.float32) * 0.01
    # per-token delta index (which serving delta each token's request uses)
    indices = jax.random.randint(ks[6], (T,), 0, MAX_DELTAS, dtype=jnp.int32)
    return {
        "x": x,
        "base_W": base_W,
        "bias": bias,
        "qweight0": qweight0,
        "qweight1": qweight1,
        "scales0": scales0,
        "scales1": scales1,
        "indices": indices,
    }


def reference(x, base_W, bias, qweight0, qweight1, scales0, scales1, indices):
    # base layer: merged column-parallel linear (gate_proj + up_proj packed)
    out = x @ base_W.T + bias[None, :]
    # apply_delta: per-token quantized delta weight applied per slice.
    # Grouped-GEMM over the delta stack; token-to-delta routing via `indices`.
    for d in range(MAX_DELTAS):
        # symmetric 4-bit dequant: w = scale * (q - zero_point)
        w0 = scales0[d] * (qweight0[d].astype(jnp.float32) - 8.0)  # [SLICE, D_IN]
        w1 = scales1[d] * (qweight1[d].astype(jnp.float32) - 8.0)  # [SLICE, D_IN]
        d_out = jnp.concatenate([x @ w0.T, x @ w1.T], axis=-1)  # [T, 2*SLICE]
        mask = (indices == d).astype(x.dtype)[:, None]
        out = out + mask * d_out
    return out

if __name__ == "__main__":
    import jax
    _d = setup_inputs()
    print(jax.jit(kernel)(*tuple(_d.values())))

</pallas_src>

<mosaic_0001>
#map = affine_map<(d0, d1) -> (0, 0)>
#map1 = affine_map<(d0, d1) -> (0)>
module attributes {stable_mosaic.version = 14 : i64} {
  func.func @k(%arg0: i32, %arg1: i32, %arg2: memref<2048x768xf32, #tpu.memory_space<hbm>>, %arg3: memref<2048xi32, #tpu.memory_space<hbm>>, %arg4: memref<2048x768xf32, #tpu.memory_space<hbm>>, %arg5: memref<64xi32, #tpu.memory_space<vmem>>, %arg6: memref<16x768xf32, #tpu.memory_space<vmem>>, %arg7: memref<16x768xf32, #tpu.memory_space<vmem>>, %arg8: memref<16x768xf32, #tpu.memory_space<vmem>>, %arg9: memref<16x768xf32, #tpu.memory_space<vmem>>, %arg10: memref<!tpu.dma_semaphore, #tpu.memory_space<semaphore_mem>>, %arg11: memref<!tpu.dma_semaphore, #tpu.memory_space<semaphore_mem>>, %arg12: memref<!tpu.dma_semaphore, #tpu.memory_space<semaphore_mem>>, %arg13: memref<!tpu.dma_semaphore, #tpu.memory_space<semaphore_mem>>, %arg14: memref<!tpu.dma_semaphore, #tpu.memory_space<semaphore_mem>>, %arg15: memref<!tpu.dma_semaphore, #tpu.memory_space<semaphore_mem>>, %arg16: memref<!tpu.dma_semaphore, #tpu.memory_space<semaphore_mem>>, %arg17: memref<!tpu.dma_semaphore, #tpu.memory_space<semaphore_mem>>) attributes {dimension_semantics = [#tpu.dimension_semantics<core_parallel>, #tpu.dimension_semantics<subcore_parallel>], iteration_bounds = array<i64: 2, 16>, scalar_prefetch = 0 : i64, scratch_operands = 13 : i64, tpu.core_type = #tpu.core_type<sc_vector_subcore>, window_params = [{transform_indices = #map}, {transform_indices = #map1}, {transform_indices = #map}]} {
    %mul3A = arith.constant 2 : i32
    %mul3A_0 = arith.muli %arg1, %mul3A : i32
    %add3A = arith.addi %mul3A_0, %arg0 : i32
    %mul3A_1 = arith.constant 64 : i32
    %mul3A_2 = arith.muli %add3A, %mul3A_1 : i32
    "tpu.region"() ({
      %run_scoped3A = tpu.sem_alloc : memref<!tpu.dma_semaphore, #tpu.memory_space<semaphore_mem>>
      %dma_start3A_81 = tpu.memref_slice %arg3[%mul3A_2] : memref<2048xi32, #tpu.memory_space<hbm>> -> memref<64xi32, #tpu.memory_space<hbm>>
      %dma_start3A_82 = tpu.memref_slice %arg3[%mul3A_2] : memref<2048xi32, #tpu.memory_space<hbm>> -> memref<64xi32, #tpu.memory_space<hbm>>
      tpu.enqueue_dma source(%dma_start3A_82 : memref<64xi32, #tpu.memory_space<hbm>>) target(%arg5 : memref<64xi32, #tpu.memory_space<vmem>>) target_semaphore(%run_scoped3A : memref<!tpu.dma_semaphore, #tpu.memory_space<semaphore_mem>>)
      %dma_wait3A_83 = tpu.memref_slice %arg3[%mul3A_2] : memref<2048xi32, #tpu.memory_space<hbm>> -> memref<64xi32, #tpu.memory_space<hbm>>
      %dma_wait3A_84 = tpu.memref_slice %arg3[%mul3A_2] : memref<2048xi32, #tpu.memory_space<hbm>> -> memref<64xi32, #tpu.memory_space<hbm>>
      tpu.wait_dma2 semaphore(%run_scoped3A : memref<!tpu.dma_semaphore, #tpu.memory_space<semaphore_mem>>) src(%dma_wait3A_84 : memref<64xi32, #tpu.memory_space<hbm>>) dst(%arg5 : memref<64xi32, #tpu.memory_space<vmem>>)
      tpu.yield
    }) : () -> ()
    %dma_start3A = arith.constant 0 : i32
    %dma_start3A_3 = tpu.memref_slice %arg5[%dma_start3A] : memref<64xi32, #tpu.memory_space<vmem>> -> memref<16xi32, #tpu.memory_space<vmem>>
    %dma_start3A_4 = arith.constant 0 : i32
    %dma_start3A_5 = arith.constant 0 : i32
    %dma_start3A_6 = tpu.memref_slice %arg2[%dma_start3A_4, %dma_start3A_5] : memref<2048x768xf32, #tpu.memory_space<hbm>> -> memref<2048x768xf32, #tpu.memory_space<hbm>>
    tpu.enqueue_indirect_dma source(%dma_start3A_6 : memref<2048x768xf32, #tpu.memory_space<hbm>>) target(%arg6 : memref<16x768xf32, #tpu.memory_space<vmem>>) offsets(%dma_start3A_3 : memref<16xi32, #tpu.memory_space<vmem>>) semaphore(%arg10 : memref<!tpu.dma_semaphore, #tpu.memory_space<semaphore_mem>>)
    %dma_start3A_7 = arith.constant 16 : i32
    %dma_start3A_8 = tpu.memref_slice %arg5[%dma_start3A_7] : memref<64xi32, #tpu.memory_space<vmem>> -> memref<16xi32, #tpu.memory_space<vmem>>
    %dma_start3A_9 = arith.constant 0 : i32
    %dma_start3A_10 = arith.constant 0 : i32
    %dma_start3A_11 = tpu.memref_slice %arg2[%dma_start3A_9, %dma_start3A_10] : memref<2048x768xf32, #tpu.memory_space<hbm>> -> memref<2048x768xf32, #tpu.memory_space<hbm>>
    tpu.enqueue_indirect_dma source(%dma_start3A_11 : memref<2048x768xf32, #tpu.memory_space<hbm>>) target(%arg7 : memref<16x768xf32, #tpu.memory_space<vmem>>) offsets(%dma_start3A_8 : memref<16xi32, #tpu.memory_space<vmem>>) semaphore(%arg11 : memref<!tpu.dma_semaphore, #tpu.memory_space<semaphore_mem>>)
    %dma_start3A_12 = arith.constant 32 : i32
    %dma_start3A_13 = tpu.memref_slice %arg5[%dma_start3A_12] : memref<64xi32, #tpu.memory_space<vmem>> -> memref<16xi32, #tpu.memory_space<vmem>>
    %dma_start3A_14 = arith.constant 0 : i32
    %dma_start3A_15 = arith.constant 0 : i32
    %dma_start3A_16 = tpu.memref_slice %arg2[%dma_start3A_14, %dma_start3A_15] : memref<2048x768xf32, #tpu.memory_space<hbm>> -> memref<2048x768xf32, #tpu.memory_space<hbm>>
    tpu.enqueue_indirect_dma source(%dma_start3A_16 : memref<2048x768xf32, #tpu.memory_space<hbm>>) target(%arg8 : memref<16x768xf32, #tpu.memory_space<vmem>>) offsets(%dma_start3A_13 : memref<16xi32, #tpu.memory_space<vmem>>) semaphore(%arg12 : memref<!tpu.dma_semaphore, #tpu.memory_space<semaphore_mem>>)
    %dma_start3A_17 = arith.constant 48 : i32
    %dma_start3A_18 = tpu.memref_slice %arg5[%dma_start3A_17] : memref<64xi32, #tpu.memory_space<vmem>> -> memref<16xi32, #tpu.memory_space<vmem>>
    %dma_start3A_19 = arith.constant 0 : i32
    %dma_start3A_20 = arith.constant 0 : i32
    %dma_start3A_21 = tpu.memref_slice %arg2[%dma_start3A_19, %dma_start3A_20] : memref<2048x768xf32, #tpu.memory_space<hbm>> -> memref<2048x768xf32, #tpu.memory_space<hbm>>
    tpu.enqueue_indirect_dma source(%dma_start3A_21 : memref<2048x768xf32, #tpu.memory_space<hbm>>) target(%arg9 : memref<16x768xf32, #tpu.memory_space<vmem>>) offsets(%dma_start3A_18 : memref<16xi32, #tpu.memory_space<vmem>>) semaphore(%arg13 : memref<!tpu.dma_semaphore, #tpu.memory_space<semaphore_mem>>)
    %dma_wait3A = arith.constant 0 : i32
    %dma_wait3A_22 = tpu.memref_slice %arg5[%dma_wait3A] : memref<64xi32, #tpu.memory_space<vmem>> -> memref<16xi32, #tpu.memory_space<vmem>>
    %dma_wait3A_23 = arith.constant 0 : i32
    %dma_wait3A_24 = arith.constant 0 : i32
    %dma_wait3A_25 = tpu.memref_slice %arg2[%dma_wait3A_23, %dma_wait3A_24] : memref<2048x768xf32, #tpu.memory_space<hbm>> -> memref<2048x768xf32, #tpu.memory_space<hbm>>
    tpu.wait_indirect_dma semaphore(%arg10 : memref<!tpu.dma_semaphore, #tpu.memory_space<semaphore_mem>>) src(%dma_wait3A_25 : memref<2048x768xf32, #tpu.memory_space<hbm>>) dst(%arg6 : memref<16x768xf32, #tpu.memory_space<vmem>>)
    %add3A_26 = arith.constant 0 : i32
    %add3A_27 = arith.addi %mul3A_2, %add3A_26 : i32
    %dma_start3A_28 = arith.constant 0 : i32
    %dma_start3A_29 = tpu.memref_slice %arg4[%add3A_27, %dma_start3A_28] : memref<2048x768xf32, #tpu.memory_space<hbm>> -> memref<16x768xf32, #tpu.memory_space<hbm>>
    %dma_start3A_30 = arith.constant 0 : i32
    %dma_start3A_31 = tpu.memref_slice %arg4[%add3A_27, %dma_start3A_30] : memref<2048x768xf32, #tpu.memory_space<hbm>> -> memref<16x768xf32, #tpu.memory_space<hbm>>
    tpu.enqueue_dma source(%arg6 : memref<16x768xf32, #tpu.memory_space<vmem>>) target(%dma_start3A_31 : memref<16x768xf32, #tpu.memory_space<hbm>>) target_semaphore(%arg14 : memref<!tpu.dma_semaphore, #tpu.memory_space<semaphore_mem>>)
    %dma_wait3A_32 = arith.constant 16 : i32
    %dma_wait3A_33 = tpu.memref_slice %arg5[%dma_wait3A_32] : memref<64xi32, #tpu.memory_space<vmem>> -> memref<16xi32, #tpu.memory_space<vmem>>
    %dma_wait3A_34 = arith.constant 0 : i32
    %dma_wait3A_35 = arith.constant 0 : i32
    %dma_wait3A_36 = tpu.memref_slice %arg2[%dma_wait3A_34, %dma_wait3A_35] : memref<2048x768xf32, #tpu.memory_space<hbm>> -> memref<2048x768xf32, #tpu.memory_space<hbm>>
    tpu.wait_indirect_dma semaphore(%arg11 : memref<!tpu.dma_semaphore, #tpu.memory_space<semaphore_mem>>) src(%dma_wait3A_36 : memref<2048x768xf32, #tpu.memory_space<hbm>>) dst(%arg7 : memref<16x768xf32, #tpu.memory_space<vmem>>)
    %add3A_37 = arith.constant 16 : i32
    %add3A_38 = arith.addi %mul3A_2, %add3A_37 : i32
    %dma_start3A_39 = arith.constant 0 : i32
    %dma_start3A_40 = tpu.memref_slice %arg4[%add3A_38, %dma_start3A_39] : memref<2048x768xf32, #tpu.memory_space<hbm>> -> memref<16x768xf32, #tpu.memory_space<hbm>>
    %dma_start3A_41 = arith.constant 0 : i32
    %dma_start3A_42 = tpu.memref_slice %arg4[%add3A_38, %dma_start3A_41] : memref<2048x768xf32, #tpu.memory_space<hbm>> -> memref<16x768xf32, #tpu.memory_space<hbm>>
    tpu.enqueue_dma source(%arg7 : memref<16x768xf32, #tpu.memory_space<vmem>>) target(%dma_start3A_42 : memref<16x768xf32, #tpu.memory_space<hbm>>) target_semaphore(%arg15 : memref<!tpu.dma_semaphore, #tpu.memory_space<semaphore_mem>>)
    %dma_wait3A_43 = arith.constant 32 : i32
    %dma_wait3A_44 = tpu.memref_slice %arg5[%dma_wait3A_43] : memref<64xi32, #tpu.memory_space<vmem>> -> memref<16xi32, #tpu.memory_space<vmem>>
    %dma_wait3A_45 = arith.constant 0 : i32
    %dma_wait3A_46 = arith.constant 0 : i32
    %dma_wait3A_47 = tpu.memref_slice %arg2[%dma_wait3A_45, %dma_wait3A_46] : memref<2048x768xf32, #tpu.memory_space<hbm>> -> memref<2048x768xf32, #tpu.memory_space<hbm>>
    tpu.wait_indirect_dma semaphore(%arg12 : memref<!tpu.dma_semaphore, #tpu.memory_space<semaphore_mem>>) src(%dma_wait3A_47 : memref<2048x768xf32, #tpu.memory_space<hbm>>) dst(%arg8 : memref<16x768xf32, #tpu.memory_space<vmem>>)
    %add3A_48 = arith.constant 32 : i32
    %add3A_49 = arith.addi %mul3A_2, %add3A_48 : i32
    %dma_start3A_50 = arith.constant 0 : i32
    %dma_start3A_51 = tpu.memref_slice %arg4[%add3A_49, %dma_start3A_50] : memref<2048x768xf32, #tpu.memory_space<hbm>> -> memref<16x768xf32, #tpu.memory_space<hbm>>
    %dma_start3A_52 = arith.constant 0 : i32
    %dma_start3A_53 = tpu.memref_slice %arg4[%add3A_49, %dma_start3A_52] : memref<2048x768xf32, #tpu.memory_space<hbm>> -> memref<16x768xf32, #tpu.memory_space<hbm>>
    tpu.enqueue_dma source(%arg8 : memref<16x768xf32, #tpu.memory_space<vmem>>) target(%dma_start3A_53 : memref<16x768xf32, #tpu.memory_space<hbm>>) target_semaphore(%arg16 : memref<!tpu.dma_semaphore, #tpu.memory_space<semaphore_mem>>)
    %dma_wait3A_54 = arith.constant 48 : i32
    %dma_wait3A_55 = tpu.memref_slice %arg5[%dma_wait3A_54] : memref<64xi32, #tpu.memory_space<vmem>> -> memref<16xi32, #tpu.memory_space<vmem>>
    %dma_wait3A_56 = arith.constant 0 : i32
    %dma_wait3A_57 = arith.constant 0 : i32
    %dma_wait3A_58 = tpu.memref_slice %arg2[%dma_wait3A_56, %dma_wait3A_57] : memref<2048x768xf32, #tpu.memory_space<hbm>> -> memref<2048x768xf32, #tpu.memory_space<hbm>>
    tpu.wait_indirect_dma semaphore(%arg13 : memref<!tpu.dma_semaphore, #tpu.memory_space<semaphore_mem>>) src(%dma_wait3A_58 : memref<2048x768xf32, #tpu.memory_space<hbm>>) dst(%arg9 : memref<16x768xf32, #tpu.memory_space<vmem>>)
    %add3A_59 = arith.constant 48 : i32
    %add3A_60 = arith.addi %mul3A_2, %add3A_59 : i32
    %dma_start3A_61 = arith.constant 0 : i32
    %dma_start3A_62 = tpu.memref_slice %arg4[%add3A_60, %dma_start3A_61] : memref<2048x768xf32, #tpu.memory_space<hbm>> -> memref<16x768xf32, #tpu.memory_space<hbm>>
    %dma_start3A_63 = arith.constant 0 : i32
    %dma_start3A_64 = tpu.memref_slice %arg4[%add3A_60, %dma_start3A_63] : memref<2048x768xf32, #tpu.memory_space<hbm>> -> memref<16x768xf32, #tpu.memory_space<hbm>>
    tpu.enqueue_dma source(%arg9 : memref<16x768xf32, #tpu.memory_space<vmem>>) target(%dma_start3A_64 : memref<16x768xf32, #tpu.memory_space<hbm>>) target_semaphore(%arg17 : memref<!tpu.dma_semaphore, #tpu.memory_space<semaphore_mem>>)
    %dma_wait3A_65 = arith.constant 0 : i32
    %dma_wait3A_66 = tpu.memref_slice %arg4[%add3A_27, %dma_wait3A_65] : memref<2048x768xf32, #tpu.memory_space<hbm>> -> memref<16x768xf32, #tpu.memory_space<hbm>>
    %dma_wait3A_67 = arith.constant 0 : i32
    %dma_wait3A_68 = tpu.memref_slice %arg4[%add3A_27, %dma_wait3A_67] : memref<2048x768xf32, #tpu.memory_space<hbm>> -> memref<16x768xf32, #tpu.memory_space<hbm>>
    tpu.wait_dma2 semaphore(%arg14 : memref<!tpu.dma_semaphore, #tpu.memory_space<semaphore_mem>>) src(%arg6 : memref<16x768xf32, #tpu.memory_space<vmem>>) dst(%dma_wait3A_68 : memref<16x768xf32, #tpu.memory_space<hbm>>)
    %dma_wait3A_69 = arith.constant 0 : i32
    %dma_wait3A_70 = tpu.memref_slice %arg4[%add3A_38, %dma_wait3A_69] : memref<2048x768xf32, #tpu.memory_space<hbm>> -> memref<16x768xf32, #tpu.memory_space<hbm>>
    %dma_wait3A_71 = arith.constant 0 : i32
    %dma_wait3A_72 = tpu.memref_slice %arg4[%add3A_38, %dma_wait3A_71] : memref<2048x768xf32, #tpu.memory_space<hbm>> -> memref<16x768xf32, #tpu.memory_space<hbm>>
    tpu.wait_dma2 semaphore(%arg15 : memref<!tpu.dma_semaphore, #tpu.memory_space<semaphore_mem>>) src(%arg7 : memref<16x768xf32, #tpu.memory_space<vmem>>) dst(%dma_wait3A_72 : memref<16x768xf32, #tpu.memory_space<hbm>>)
    %dma_wait3A_73 = arith.constant 0 : i32
    %dma_wait3A_74 = tpu.memref_slice %arg4[%add3A_49, %dma_wait3A_73] : memref<2048x768xf32, #tpu.memory_space<hbm>> -> memref<16x768xf32, #tpu.memory_space<hbm>>
    %dma_wait3A_75 = arith.constant 0 : i32
    %dma_wait3A_76 = tpu.memref_slice %arg4[%add3A_49, %dma_wait3A_75] : memref<2048x768xf32, #tpu.memory_space<hbm>> -> memref<16x768xf32, #tpu.memory_space<hbm>>
    tpu.wait_dma2 semaphore(%arg16 : memref<!tpu.dma_semaphore, #tpu.memory_space<semaphore_mem>>) src(%arg8 : memref<16x768xf32, #tpu.memory_space<vmem>>) dst(%dma_wait3A_76 : memref<16x768xf32, #tpu.memory_space<hbm>>)
    %dma_wait3A_77 = arith.constant 0 : i32
    %dma_wait3A_78 = tpu.memref_slice %arg4[%add3A_60, %dma_wait3A_77] : memref<2048x768xf32, #tpu.memory_space<hbm>> -> memref<16x768xf32, #tpu.memory_space<hbm>>
    %dma_wait3A_79 = arith.constant 0 : i32
    %dma_wait3A_80 = tpu.memref_slice %arg4[%add3A_60, %dma_wait3A_79] : memref<2048x768xf32, #tpu.memory_space<hbm>> -> memref<16x768xf32, #tpu.memory_space<hbm>>
    tpu.wait_dma2 semaphore(%arg17 : memref<!tpu.dma_semaphore, #tpu.memory_space<semaphore_mem>>) src(%arg9 : memref<16x768xf32, #tpu.memory_space<vmem>>) dst(%dma_wait3A_80 : memref<16x768xf32, #tpu.memory_space<hbm>>)
    return
  }
}

module attributes {stable_mosaic.version = 14 : i64} {
  func.func @_grouped_body(%arg0: i32, %arg1: i32, %arg2: memref<15xi32, #tpu.memory_space<smem>>, %arg3: memref<15xi32, #tpu.memory_space<smem>>, %arg4: memref<15xi32, #tpu.memory_space<smem>>, %arg5: memref<15xi32, #tpu.memory_space<smem>>, %arg6: memref<15xi32, #tpu.memory_space<smem>>, %arg7: memref<2048x768xf32, #tpu.memory_space<vmem>>, %arg8: memref<1x1024x768xi32, #tpu.memory_space<vmem>>, %arg9: memref<1x1024x768xi32, #tpu.memory_space<vmem>>, %arg10: memref<1x1x1x1024xf32, #tpu.memory_space<vmem>>, %arg11: memref<1x1x1x1024xf32, #tpu.memory_space<vmem>>, %arg12: memref<1024x768xf32, #tpu.memory_space<vmem>>, %arg13: memref<1x1x1024xf32, #tpu.memory_space<vmem>>, %arg14: memref<256x1024xf32, #tpu.memory_space<vmem>>, %arg15: memref<2048x768xbf16, #tpu.memory_space<vmem>>, %arg16: memref<1024x768xbf16, #tpu.memory_space<vmem>>) attributes {dimension_semantics = [#tpu.dimension_semantics<arbitrary>, #tpu.dimension_semantics<arbitrary>], iteration_bounds = array<i64: 4, 15>, scalar_prefetch = 5 : i64, scratch_operands = 2 : i64, tpu.core_type = #tpu.core_type<tc>, window_params = [{pipeline_mode = #tpu.pipeline_mode<synchronous>, transform_indices = @transform_0, window_bounds = array<i64: 2048, 768>}, {transform_indices = @transform_1, window_bounds = array<i64: 1, 1024, 768>}, {transform_indices = @transform_2, window_bounds = array<i64: 1, 1024, 768>}, {transform_indices = @transform_3, window_bounds = array<i64: 1, 1, 1, 1024>}, {transform_indices = @transform_4, window_bounds = array<i64: 1, 1, 1, 1024>}, {transform_indices = @transform_5, window_bounds = array<i64: 1024, 768>}, {transform_indices = @transform_6, window_bounds = array<i64: 1, 1, 1024>}, {transform_indices = @transform_7, window_bounds = array<i64: 256, 1024>}]} {
    %get3A = arith.index_cast %arg1 : i32 to index
    %get3A_0 = memref.load %arg3[%get3A] : memref<15xi32, #tpu.memory_space<smem>>
    %get3A_1 = arith.index_cast %arg1 : i32 to index
    %get3A_2 = memref.load %arg2[%get3A_1] : memref<15xi32, #tpu.memory_space<smem>>
    %get3A_3 = arith.index_cast %arg1 : i32 to index
    %get3A_4 = memref.load %arg4[%get3A_3] : memref<15xi32, #tpu.memory_space<smem>>
    %get3A_5 = arith.index_cast %arg1 : i32 to index
    %get3A_6 = memref.load %arg5[%get3A_5] : memref<15xi32, #tpu.memory_space<smem>>
    %get3A_7 = arith.index_cast %arg1 : i32 to index
    %get3A_8 = memref.load %arg6[%get3A_7] : memref<15xi32, #tpu.memory_space<smem>>
    %eq3A = arith.constant 0 : i32
    %eq3A_9 = arith.cmpi eq, %arg0, %eq3A : i32
    %eq3A_10 = arith.constant 0 : i32
    %eq3A_11 = arith.cmpi eq, %arg1, %eq3A_10 : i32
    %and3A = arith.andi %eq3A_9, %eq3A_11 : i1
    %convert_element_type3A = arith.extui %and3A : i1 to i32
    %cond3A = arith.constant 0 : i32
    %cond3A_12 = arith.cmpi ne, %convert_element_type3A, %cond3A : i32
    scf.if %cond3A_12 {
      %get3A_57 = arith.constant 0 : index
      %get3A_58 = arith.constant 0 : index
      %get3A_59 = vector.load %arg7[%get3A_57, %get3A_58] : memref<2048x768xf32, #tpu.memory_space<vmem>>, vector<2048x768xf32>
      %convert_element_type3A_60 = arith.truncf %get3A_59 : vector<2048x768xf32> to vector<2048x768xbf16>
      %swap3A = arith.constant 0 : index
      %swap3A_61 = arith.constant 0 : index
      %swap3A_62 = vector.load %arg15[%swap3A, %swap3A_61] : memref<2048x768xbf16, #tpu.memory_space<vmem>>, vector<2048x768xbf16>
      tpu.vector_store %arg15[%swap3A, %swap3A_61], %convert_element_type3A_60 {strides = array<i32>} : memref<2048x768xbf16, #tpu.memory_space<vmem>>, vector<2048x768xbf16>,
    } else {
    }
    %sub3A = arith.constant 1 : i32
    %sub3A_13 = arith.subi %arg1, %sub3A : i32
    %max3A = arith.constant 0 : i32
    %max3A_14 = arith.maxsi %sub3A_13, %max3A : i32
    %get3A_15 = arith.index_cast %max3A_14 : i32 to index
    %get3A_16 = memref.load %arg3[%get3A_15] : memref<15xi32, #tpu.memory_space<smem>>
    %eq3A_17 = arith.constant 0 : i32
    %eq3A_18 = arith.cmpi eq, %arg1, %eq3A_17 : i32
    %ne3A = arith.cmpi ne, %get3A_0, %get3A_16 : i32
    %or3A = arith.ori %eq3A_18, %ne3A : i1
    %lt3A = arith.constant 2 : i32
    %lt3A_19 = arith.cmpi slt, %arg0, %lt3A : i32
    %and3A_20 = arith.andi %or3A, %lt3A_19 : i1
    %convert_element_type3A_21 = arith.extui %and3A_20 : i1 to i32
    %cond3A_22 = arith.constant 0 : i32
    %cond3A_23 = arith.cmpi ne, %convert_element_type3A_21, %cond3A_22 : i32
    scf.if %cond3A_23 {
      %get3A_57 = arith.constant 0 : index
      %get3A_58 = arith.constant 0 : index
      %get3A_59 = arith.constant 0 : index
      %get3A_60 = arith.constant 0 : index
      %get3A_61 = vector.load %arg10[%get3A_57, %get3A_58, %get3A_59, %get3A_60] : memref<1x1x1x1024xf32, #tpu.memory_space<vmem>>, vector<1x1x1x1024xf32>
      %get3A_62 = vector.shape_cast %get3A_61 : vector<1x1x1x1024xf32> to vector<1024xf32>
      %get3A_63 = arith.constant 0 : index
      %get3A_64 = arith.constant 0 : index
      %get3A_65 = vector.load %arg12[%get3A_63, %get3A_64] : memref<1024x768xf32, #tpu.memory_space<vmem>>, vector<1024x768xf32>
      %broadcast_in_dim3A_66 = vector.shape_cast %get3A_62 : vector<1024xf32> to vector<1024x1xf32>
      %get3A_67 = arith.constant 0 : index
      %get3A_68 = arith.constant 0 : index
      %get3A_69 = arith.constant 0 : index
      %get3A_70 = vector.load %arg8[%get3A_67, %get3A_68, %get3A_69] : memref<1x1024x768xi32, #tpu.memory_space<vmem>>, vector<1x1024x768xi32>
      %get3A_71 = vector.shape_cast %get3A_70 : vector<1x1024x768xi32> to vector<1024x768xi32>
      %sub3A_72 = arith.constant 8 : i32
      %sub3A_73 = vector.broadcast %sub3A_72 : i32 to vector<1024x768xi32>
      %sub3A_74 = arith.subi %get3A_71, %sub3A_73 : vector<1024x768xi32>
      %convert_element_type3A_75 = arith.sitofp %sub3A_74 : vector<1024x768xi32> to vector<1024x768xf32>
      %mul3A_76 = vector.broadcast %broadcast_in_dim3A_66 : vector<1024x1xf32> to vector<1024x768xf32>
      %mul3A_77 = arith.mulf %mul3A_76, %convert_element_type3A_75 : vector<1024x768xf32>
      %add3A_78 = arith.addf %get3A_65, %mul3A_77 : vector<1024x768xf32>
      %convert_element_type3A_79 = arith.truncf %add3A_78 : vector<1024x768xf32> to vector<1024x768xbf16>
      %swap3A = arith.constant 0 : index
      %swap3A_80 = arith.constant 0 : index
      %swap3A_81 = vector.load %arg16[%swap3A, %swap3A_80] : memref<1024x768xbf16, #tpu.memory_space<vmem>>, vector<1024x768xbf16>
      tpu.vector_store %arg16[%swap3A, %swap3A_80], %convert_element_type3A_79 {strides = array<i32>} : memref<1024x768xbf16, #tpu.memory_space<vmem>>, vector<1024x768xbf16>,
    } else {
    }
    %ge3A = arith.constant 2 : i32
    %ge3A_24 = arith.cmpi sge, %arg0, %ge3A : i32
    %and3A_25 = arith.andi %or3A, %ge3A_24 : i1
    %convert_element_type3A_26 = arith.extui %and3A_25 : i1 to i32
    %cond3A_27 = arith.constant 0 : i32
    %cond3A_28 = arith.cmpi ne, %convert_element_type3A_26, %cond3A_27 : i32
    scf.if %cond3A_28 {
      %get3A_57 = arith.constant 0 : index
      %get3A_58 = arith.constant 0 : index
      %get3A_59 = arith.constant 0 : index
      %get3A_60 = arith.constant 0 : index
      %get3A_61 = vector.load %arg11[%get3A_57, %get3A_58, %get3A_59, %get3A_60] : memref<1x1x1x1024xf32, #tpu.memory_space<vmem>>, vector<1x1x1x1024xf32>
      %get3A_62 = vector.shape_cast %get3A_61 : vector<1x1x1x1024xf32> to vector<1024xf32>
      %get3A_63 = arith.constant 0 : index
      %get3A_64 = arith.constant 0 : index
      %get3A_65 = vector.load %arg12[%get3A_63, %get3A_64] : memref<1024x768xf32, #tpu.memory_space<vmem>>, vector<1024x768xf32>
      %broadcast_in_dim3A_66 = vector.shape_cast %get3A_62 : vector<1024xf32> to vector<1024x1xf32>
      %get3A_67 = arith.constant 0 : index
      %get3A_68 = arith.constant 0 : index
      %get3A_69 = arith.constant 0 : index
      %get3A_70 = vector.load %arg9[%get3A_67, %get3A_68, %get3A_69] : memref<1x1024x768xi32, #tpu.memory_space<vmem>>, vector<1x1024x768xi32>
      %get3A_71 = vector.shape_cast %get3A_70 : vector<1x1024x768xi32> to vector<1024x768xi32>
      %sub3A_72 = arith.constant 8 : i32
      %sub3A_73 = vector.broadcast %sub3A_72 : i32 to vector<1024x768xi32>
      %sub3A_74 = arith.subi %get3A_71, %sub3A_73 : vector<1024x768xi32>
      %convert_element_type3A_75 = arith.sitofp %sub3A_74 : vector<1024x768xi32> to vector<1024x768xf32>
      %mul3A_76 = vector.broadcast %broadcast_in_dim3A_66 : vector<1024x1xf32> to vector<1024x768xf32>
      %mul3A_77 = arith.mulf %mul3A_76, %convert_element_type3A_75 : vector<1024x768xf32>
      %add3A_78 = arith.addf %get3A_65, %mul3A_77 : vector<1024x768xf32>
      %convert_element_type3A_79 = arith.truncf %add3A_78 : vector<1024x768xf32> to vector<1024x768xbf16>
      %swap3A = arith.constant 0 : index
      %swap3A_80 = arith.constant 0 : index
      %swap3A_81 = vector.load %arg16[%swap3A, %swap3A_80] : memref<1024x768xbf16, #tpu.memory_space<vmem>>, vector<1024x768xbf16>
      tpu.vector_store %arg16[%swap3A, %swap3A_80], %convert_element_type3A_79 {strides = array<i32>} : memref<1024x768xbf16, #tpu.memory_space<vmem>>, vector<1024x768xbf16>,
    } else {
    }
    %mul3A = arith.constant 256 : i32
    %mul3A_29 = arith.muli %get3A_2, %mul3A : i32
    %iota3A = tpu.iota {dimensions = array<i32: 0>} : vector<256x1xi32>
    %add3A = vector.broadcast %mul3A_29 : i32 to vector<256x1xi32>
    %add3A_30 = arith.addi %add3A, %iota3A : vector<256x1xi32>
    %ge3A_31 = vector.broadcast %get3A_6 : i32 to vector<256x1xi32>
    %ge3A_32 = arith.cmpi sge, %add3A_30, %ge3A_31 : vector<256x1xi32>
    %lt3A_33 = vector.broadcast %get3A_8 : i32 to vector<256x1xi32>
    %lt3A_34 = arith.cmpi slt, %add3A_30, %lt3A_33 : vector<256x1xi32>
    %and3A_35 = arith.andi %ge3A_32, %lt3A_34 : vector<256x1xi1>
    %mul3A_36 = arith.constant 256 : i32
    %mul3A_37 = arith.muli %get3A_2, %mul3A_36 : i32
    %get3A_38 = arith.index_cast %mul3A_37 : i32 to index
    %get3A_39 = arith.constant 0 : index
    %get3A_40 = vector.load %arg15[%get3A_38, %get3A_39] : memref<2048x768xbf16, #tpu.memory_space<vmem>>, vector<256x768xbf16>
    %jit3A = arith.constant 0.000000e+00 : bf16
    %broadcast_in_dim3A = vector.shape_cast %and3A_35 : vector<256x1xi1> to vector<256x1xi1>
    %broadcast_in_dim3A_41 = vector.broadcast %broadcast_in_dim3A : vector<256x1xi1> to vector<256x768xi1>
    %broadcast_in_dim3A_42 = vector.broadcast %jit3A : bf16 to vector<256x768xbf16>
    %select_n3A = arith.select %broadcast_in_dim3A_41, %get3A_40, %broadcast_in_dim3A_42 : vector<256x768xi1>, vector<256x768xbf16>
    %get3A_43 = arith.constant 0 : index
    %get3A_44 = arith.constant 0 : index
    %get3A_45 = vector.load %arg16[%get3A_43, %get3A_44] : memref<1024x768xbf16, #tpu.memory_space<vmem>>, vector<1024x768xbf16>
    %dot_general3A = arith.constant dense<0.000000e+00> : vector<256x1024xf32>
    %dot_general3A_46 = tpu.matmul %select_n3A, %get3A_45, %dot_general3A {dimension_numbers = #tpu.dot_dimension_numbers<[1], [1], [0], [0], [0, 0, 1, 0], [], []>, transpose_lhs_hint = false} : vector<256x768xbf16>, vector<1024x768xbf16>, vector<256x1024xf32> -> vector<256x1024xf32>
    %eq3A_47 = arith.constant 1 : i32
    %eq3A_48 = arith.cmpi eq, %get3A_4, %eq3A_47 : i32
    %convert_element_type3A_49 = arith.extui %eq3A_48 : i1 to i32
    %cond3A_50 = arith.constant 0 : i32
    %cond3A_51 = arith.cmpi ne, %convert_element_type3A_49, %cond3A_50 : i32
    scf.if %cond3A_51 {
      %get3A_57 = arith.constant 0 : index
      %get3A_58 = arith.constant 0 : index
      %get3A_59 = arith.constant 0 : index
      %get3A_60 = vector.load %arg13[%get3A_57, %get3A_58, %get3A_59] : memref<1x1x1024xf32, #tpu.memory_space<vmem>>, vector<1x1x1024xf32>
      %get3A_61 = vector.shape_cast %get3A_60 : vector<1x1x1024xf32> to vector<1x1024xf32>
      %add3A_62 = vector.broadcast %get3A_61 : vector<1x1024xf32> to vector<256x1024xf32>
      %add3A_63 = arith.addf %dot_general3A_46, %add3A_62 : vector<256x1024xf32>
      %swap3A = arith.constant 0 : index
      %swap3A_64 = arith.constant 0 : index
      %swap3A_65 = vector.load %arg14[%swap3A, %swap3A_64] : memref<256x1024xf32, #tpu.memory_space<vmem>>, vector<256x1024xf32>
      tpu.vector_store %arg14[%swap3A, %swap3A_64], %add3A_63 {strides = array<i32>} : memref<256x1024xf32, #tpu.memory_space<vmem>>, vector<256x1024xf32>,
    } else {
    }
    %eq3A_52 = arith.constant 0 : i32
    %eq3A_53 = arith.cmpi eq, %get3A_4, %eq3A_52 : i32
    %convert_element_type3A_54 = arith.extui %eq3A_53 : i1 to i32
    %cond3A_55 = arith.constant 0 : i32
    %cond3A_56 = arith.cmpi ne, %convert_element_type3A_54, %cond3A_55 : i32
    scf.if %cond3A_56 {
      %get3A_57 = arith.constant 0 : index
      %get3A_58 = arith.constant 0 : index
      %get3A_59 = vector.load %arg14[%get3A_57, %get3A_58] : memref<256x1024xf32, #tpu.memory_space<vmem>>, vector<256x1024xf32>
      %add3A_60 = arith.addf %get3A_59, %dot_general3A_46 : vector<256x1024xf32>
      %swap3A = arith.constant 0 : index
      %swap3A_61 = arith.constant 0 : index
      %swap3A_62 = vector.load %arg14[%swap3A, %swap3A_61] : memref<256x1024xf32, #tpu.memory_space<vmem>>, vector<256x1024xf32>
      tpu.vector_store %arg14[%swap3A, %swap3A_61], %add3A_60 {strides = array<i32>} : memref<256x1024xf32, #tpu.memory_space<vmem>>, vector<256x1024xf32>,
    } else {
    }
    return
  }
  func.func @transform_0(%arg0: i32, %arg1: i32, %arg2: memref<15xi32, #tpu.memory_space<smem>>, %arg3: memref<15xi32, #tpu.memory_space<smem>>, %arg4: memref<15xi32, #tpu.memory_space<smem>>, %arg5: memref<15xi32, #tpu.memory_space<smem>>, %arg6: memref<15xi32, #tpu.memory_space<smem>>) -> (i32, i32) {
    %c0_i32 = arith.constant 0 : i32
    %c0_i32_0 = arith.constant 0 : i32
    %c0_i32_1 = arith.constant 0 : i32
    return %c0_i32, %c0_i32_0 : i32, i32
  }
  func.func @transform_1(%arg0: i32, %arg1: i32, %arg2: memref<15xi32, #tpu.memory_space<smem>>, %arg3: memref<15xi32, #tpu.memory_space<smem>>, %arg4: memref<15xi32, #tpu.memory_space<smem>>, %arg5: memref<15xi32, #tpu.memory_space<smem>>, %arg6: memref<15xi32, #tpu.memory_space<smem>>) -> (i32, i32, i32) {
    %lt3A = arith.constant 2 : i32
    %lt3A_0 = arith.cmpi slt, %arg0, %lt3A : i32
    %get3A = arith.index_cast %arg1 : i32 to index
    %get3A_1 = memref.load %arg3[%get3A] : memref<15xi32, #tpu.memory_space<smem>>
    %jit3A = arith.constant 0 : i32
    %select_n3A = arith.select %lt3A_0, %get3A_1, %jit3A : i32
    %lt3A_2 = arith.constant 2 : i32
    %lt3A_3 = arith.cmpi slt, %arg0, %lt3A_2 : i32
    %jit3A_4 = arith.constant 0 : i32
    %select_n3A_5 = arith.select %lt3A_3, %arg0, %jit3A_4 : i32
    %c0_i32 = arith.constant 0 : i32
    %c0_i32_6 = arith.constant 0 : i32
    return %select_n3A, %select_n3A_5, %c0_i32 : i32, i32, i32
  }
  func.func @transform_2(%arg0: i32, %arg1: i32, %arg2: memref<15xi32, #tpu.memory_space<smem>>, %arg3: memref<15xi32, #tpu.memory_space<smem>>, %arg4: memref<15xi32, #tpu.memory_space<smem>>, %arg5: memref<15xi32, #tpu.memory_space<smem>>, %arg6: memref<15xi32, #tpu.memory_space<smem>>) -> (i32, i32, i32) {
    %ge3A = arith.constant 2 : i32
    %ge3A_0 = arith.cmpi sge, %arg0, %ge3A : i32
    %get3A = arith.index_cast %arg1 : i32 to index
    %get3A_1 = memref.load %arg3[%get3A] : memref<15xi32, #tpu.memory_space<smem>>
    %jit3A = arith.constant 0 : i32
    %select_n3A = arith.select %ge3A_0, %get3A_1, %jit3A : i32
    %ge3A_2 = arith.constant 2 : i32
    %ge3A_3 = arith.cmpi sge, %arg0, %ge3A_2 : i32
    %sub3A = arith.constant 2 : i32
    %sub3A_4 = arith.subi %arg0, %sub3A : i32
    %jit3A_5 = arith.constant 0 : i32
    %select_n3A_6 = arith.select %ge3A_3, %sub3A_4, %jit3A_5 : i32
    %c0_i32 = arith.constant 0 : i32
    %c0_i32_7 = arith.constant 0 : i32
    return %select_n3A, %select_n3A_6, %c0_i32 : i32, i32, i32
  }
  func.func @transform_3(%arg0: i32, %arg1: i32, %arg2: memref<15xi32, #tpu.memory_space<smem>>, %arg3: memref<15xi32, #tpu.memory_space<smem>>, %arg4: memref<15xi32, #tpu.memory_space<smem>>, %arg5: memref<15xi32, #tpu.memory_space<smem>>, %arg6: memref<15xi32, #tpu.memory_space<smem>>) -> (i32, i32, i32, i32) {
    %lt3A = arith.constant 2 : i32
    %lt3A_0 = arith.cmpi slt, %arg0, %lt3A : i32
    %get3A = arith.index_cast %arg1 : i32 to index
    %get3A_1 = memref.load %arg3[%get3A] : memref<15xi32, #tpu.memory_space<smem>>
    %jit3A = arith.constant 0 : i32
    %select_n3A = arith.select %lt3A_0, %get3A_1, %jit3A : i32
    %lt3A_2 = arith.constant 2 : i32
    %lt3A_3 = arith.cmpi slt, %arg0, %lt3A_2 : i32
    %jit3A_4 = arith.constant 0 : i32
    %select_n3A_5 = arith.select %lt3A_3, %arg0, %jit3A_4 : i32
    %c0_i32 = arith.constant 0 : i32
    %c0_i32_6 = arith.constant 0 : i32
    %c0_i32_7 = arith.constant 0 : i32
    return %select_n3A, %select_n3A_5, %c0_i32, %c0_i32_6 : i32, i32, i32, i32
  }
  func.func @transform_4(%arg0: i32, %arg1: i32, %arg2: memref<15xi32, #tpu.memory_space<smem>>, %arg3: memref<15xi32, #tpu.memory_space<smem>>, %arg4: memref<15xi32, #tpu.memory_space<smem>>, %arg5: memref<15xi32, #tpu.memory_space<smem>>, %arg6: memref<15xi32, #tpu.memory_space<smem>>) -> (i32, i32, i32, i32) {
    %ge3A = arith.constant 2 : i32
    %ge3A_0 = arith.cmpi sge, %arg0, %ge3A : i32
    %get3A = arith.index_cast %arg1 : i32 to index
    %get3A_1 = memref.load %arg3[%get3A] : memref<15xi32, #tpu.memory_space<smem>>
    %jit3A = arith.constant 0 : i32
    %select_n3A = arith.select %ge3A_0, %get3A_1, %jit3A : i32
    %ge3A_2 = arith.constant 2 : i32
    %ge3A_3 = arith.cmpi sge, %arg0, %ge3A_2 : i32
    %sub3A = arith.constant 2 : i32
    %sub3A_4 = arith.subi %arg0, %sub3A : i32
    %jit3A_5 = arith.constant 0 : i32
    %select_n3A_6 = arith.select %ge3A_3, %sub3A_4, %jit3A_5 : i32
    %c0_i32 = arith.constant 0 : i32
    %c0_i32_7 = arith.constant 0 : i32
    %c0_i32_8 = arith.constant 0 : i32
    return %select_n3A, %select_n3A_6, %c0_i32, %c0_i32_7 : i32, i32, i32, i32
  }
  func.func @transform_5(%arg0: i32, %arg1: i32, %arg2: memref<15xi32, #tpu.memory_space<smem>>, %arg3: memref<15xi32, #tpu.memory_space<smem>>, %arg4: memref<15xi32, #tpu.memory_space<smem>>, %arg5: memref<15xi32, #tpu.memory_space<smem>>, %arg6: memref<15xi32, #tpu.memory_space<smem>>) -> (i32, i32) {
    %c0_i32 = arith.constant 0 : i32
    %c0_i32_0 = arith.constant 0 : i32
    return %arg0, %c0_i32 : i32, i32
  }
  func.func @transform_6(%arg0: i32, %arg1: i32, %arg2: memref<15xi32, #tpu.memory_space<smem>>, %arg3: memref<15xi32, #tpu.memory_space<smem>>, %arg4: memref<15xi32, #tpu.memory_space<smem>>, %arg5: memref<15xi32, #tpu.memory_space<smem>>, %arg6: memref<15xi32, #tpu.memory_space<smem>>) -> (i32, i32, i32) {
    %c0_i32 = arith.constant 0 : i32
    %c0_i32_0 = arith.constant 0 : i32
    %c0_i32_1 = arith.constant 0 : i32
    return %arg0, %c0_i32, %c0_i32_0 : i32, i32, i32
  }
  func.func @transform_7(%arg0: i32, %arg1: i32, %arg2: memref<15xi32, #tpu.memory_space<smem>>, %arg3: memref<15xi32, #tpu.memory_space<smem>>, %arg4: memref<15xi32, #tpu.memory_space<smem>>, %arg5: memref<15xi32, #tpu.memory_space<smem>>, %arg6: memref<15xi32, #tpu.memory_space<smem>>) -> (i32, i32) {
    %get3A = arith.index_cast %arg1 : i32 to index
    %get3A_0 = memref.load %arg2[%get3A] : memref<15xi32, #tpu.memory_space<smem>>
    %c0_i32 = arith.constant 0 : i32
    return %get3A_0, %arg0 : i32, i32
  }
}

</mosaic_0001>

<sc_bundles>
// kernel: gather_offload_async_start.1
scs
__scs_entry_jumppad:
0x0: {  	(pc) =	sbr.rel $0x88, $3  }
0x1: {  	(tag) =	ssettag $0x0;
	lr =	simm.s32 $0x1  }
0x2: {  	[smem:$0x3F99] =	sst lr;
	_ =	strace $0xD0000000  }
0x3: {  	_ = 	snop  }
0x4: {  	_ = 	snop  }
0x5: {  	_ = 	snop  }
0x6: {  	_ = 	snop  }
0x7: {  	_ = 	snop  }
__scs_overlays_trampoline_lowered:
0x8: {  	[smem:$0x3FA8] =	sst s0  }
0x9: {  	[smem:$0x3FA9] =	sst s1  }
0xa: {  	[smem:$0x3FAA] =	sst s2  }
0xb: {  	[smem:$0x3FAB] =	sst s3  }
0xc: {  	[smem:$0x3FAC] =	sst s4  }
0xd: {  	[smem:$0x3FAD] =	sst s5  }
0xe: {  	[smem:$0x3FAE] =	sst s6  }
0xf: {  	[smem:$0x3FAF] =	sst s7  }
0x10: {  	[smem:$0x3FB0] =	sst s8  }
0x11: {  	[smem:$0x3FB1] =	sst s9;
	s0 =	simm.s32 @!p0 $0x0  }
0x12: {  	s1 =	sld [smem:$0x3F97];
	s0 =	simm.s32 @p0 $0x1  }
0x13: {  	[smem:$0x3FB2] =	sst s0;
	s0 =	simm.s32 @!p1 $0x0  }
0x14: {  	s2 =	sld [smem:$0x3F96];
	s0 =	simm.s32 @p1 $0x1  }
0x15: {  	[smem:$0x3FB3] =	sst s0;
	s0 =	simm.s32 @!p2 $0x0  }
0x16: {  	s3 =	sld [smem:$0x3FDB];
	s0 =	simm.s32 @p2 $0x1  }
0x17: {  	s4 =	simm.s32 $0x1BF5;
	[smem:$0x3FB5] =	sst s0  }
0x18: {  	s0 =	sld [smem:$0x3F98];
	_ =	swait.ge [sflag:s4], $0x0  }
0x19: {  	s7 =	sld [smem:$0x3F99]  }
0x1a: {  	s8 =	sadd.s32 $0xFFFFE003, lr  }
0x1b: {  	s9 =	sadd.s32 $0xFFFFFEF7, lr;
	s5 =	simm.s32 $0xFFFFFFFF;
	p2 =	slt.u32 s8, $0xFFFFF086  }
0x1c: {  	p1 =	slt.u32 s9, $0xF7A;
	s5 =	simm.s32 @!p2 $0x0  }
0x1d: {  	s5 =	simm.s32 @p1 $0x1;
	p0 =	seq.s32 s7, s2  }
0x1e: {  	s7 =	smul.u32 @!p0 $0xF7A, s2;
	p2 =	seq.s32 @!p0 s5, $0x0  }
0x1f: {  	s9 =	smul.u32 $0xF7A, s1;
	s8 =	simm.s32 @!p0 $0x1BF5;
	p2 =	por !p2, p0  }
0x20: {  	[sflag:s8] =	ssyncset.s32 @!p0 $0xFFFFF086;
	s6 =	sadd.s32 @!p0 s3, s7;
	s7 =	simm.s32 @!p0 $0x108  }
0x21: {  	s3 =	sadd.s32 s3, s9;
	s6 =	sadd.s32 @!p0 $0x88, s6;
	s7 =	simm.s32 @p2 $0x1082  }
0x22: {  	[simem:s7], [sflag:s8] =	dma.local @!p0 [hbm:s6], $0xF7A  }
0x23: {  	s9 =	sor.u32 $0xD0000000, s2;
	s6 =	simm.s32 $0x108;
	_ =	swait.ge @!p0 [sflag:s8], $0x0  }
0x24: {  	s3 =	sadd.s32 $0x88, s3;
	s6 =	simm.s32 @!p1 $0x1082;
	[sflag:s4] =	ssyncset.s32 $0xFFFFF086  }
0x25: {  	[simem:s6], [sflag:s4] =	dma.local [hbm:s3], $0xF7A  }
0x26: {  	[smem:$0x3F99] =	sst s1;
	(tag) =	ssettag s2;
	_ =	strace s9  }
0x27: {  	s1 =	sld [smem:$0x3FA9]  }
0x28: {  	s2 =	sld [smem:$0x3FAA]  }
0x29: {  	s4 =	sld [smem:$0x3FAC]  }
0x2a: {  	p0 =	seq.s32 s5, $0x0;
	s5 =	sld [smem:$0x3FAD]  }
0x2b: {  	s6 =	sld [smem:$0x3FAE]  }
0x2c: {  	s7 =	sld [smem:$0x3FAF]  }
0x2d: {  	s3 =	simm.s32 $0x108;
	s8 =	sld [smem:$0x3FB0]  }
0x2e: {  	s3 =	simm.s32 @!p0 $0x1082;
	s9 =	sld [smem:$0x3FB1]  }
0x2f: {  	lr =	sadd.s32 s0, s3;
	s0 =	sld [smem:$0x3FA8]  }
0x30: {  	s3 =	sld [smem:$0x3FAB]  }
0x31: {  	[smem:$0x3FB4] =	sst s10  }
0x32: {  	s10 =	sld [smem:$0x3FB2];
	_ =	sdelay $0x3  }
0x33: {  	p0 =	seq.s32 s10, $0x1;
	s10 =	sld [smem:$0x3FB4];
	_ =	sdelay $0x3  }
0x34: {  	[smem:$0x3FB4] =	sst s10  }
0x35: {  	s10 =	sld [smem:$0x3FB3];
	_ =	sdelay $0x3  }
0x36: {  	p1 =	seq.s32 s10, $0x1;
	s10 =	sld [smem:$0x3FB4];
	_ =	sdelay $0x3  }
0x37: {  	[smem:$0x3FB4] =	sst s10  }
0x38: {  	s10 =	sld [smem:$0x3FB5]  }
0x39: {  	_ = 	snop;
	(pc) =	sbr.ind lr, $3  }
0x3a: {  	_ = 	snop  }
0x3b: {  	_ = 	snop  }
0x3c: {  	p2 =	seq.s32 s10, $0x1;
	s10 =	sld [smem:$0x3FB4]  }
0x3d: {  	_ =	shalt  }
0x3e: {  	_ =	shalt  }
0x3f: {  	_ =	shalt  }
0x40: {  	_ =	shalt  }
0x41: {  	_ =	shalt  }
0x42: {  	_ =	shalt  }
0x43: {  	_ =	shalt  }
0x44: {  	_ =	shalt  }
0x45: {  	_ =	shalt  }
0x46: {  	_ =	shalt  }
0x47: {  	_ =	shalt  }
0x48: {  	_ =	shalt  }
0x49: {  	_ =	shalt  }
0x4a: {  	_ =	shalt  }
0x4b: {  	_ =	shalt  }
0x4c: {  	_ =	shalt  }
0x4d: {  	_ =	shalt  }
0x4e: {  	_ =	shalt  }
0x4f: {  	_ =	shalt  }
0x50: {  	_ =	shalt  }
0x51: {  	_ =	shalt  }
0x52: {  	_ =	shalt  }
0x53: {  	_ =	shalt  }
0x54: {  	_ =	shalt  }
0x55: {  	_ =	shalt  }
0x56: {  	_ =	shalt  }
0x57: {  	_ =	shalt  }
0x58: {  	_ =	shalt  }
0x59: {  	_ =	shalt  }
0x5a: {  	_ =	shalt  }
0x5b: {  	_ =	shalt  }
0x5c: {  	_ =	shalt  }
0x5d: {  	_ =	shalt  }
0x5e: {  	_ =	shalt  }
0x5f: {  	_ =	shalt  }
0x60: {  	_ =	shalt  }
0x61: {  	_ =	shalt  }
0x62: {  	_ =	shalt  }
0x63: {  	_ =	shalt  }
0x64: {  	_ =	shalt  }
0x65: {  	_ =	shalt  }
0x66: {  	_ =	shalt  }
0x67: {  	_ =	shalt  }
0x68: {  	_ =	shalt  }
0x69: {  	_ =	shalt  }
0x6a: {  	_ =	shalt  }
0x6b: {  	_ =	shalt  }
0x6c: {  	_ =	shalt  }
0x6d: {  	_ =	shalt  }
0x6e: {  	_ =	shalt  }
0x6f: {  	_ =	shalt  }
0x70: {  	_ =	shalt  }
0x71: {  	_ =	shalt  }
0x72: {  	_ =	shalt  }
0x73: {  	_ =	shalt  }
0x74: {  	_ =	shalt  }
0x75: {  	_ =	shalt  }
0x76: {  	_ =	shalt  }
0x77: {  	_ =	shalt  }
0x78: {  	_ =	shalt  }
0x79: {  	_ =	shalt  }
0x7a: {  	_ =	shalt  }
0x7b: {  	_ =	shalt  }
0x7c: {  	_ =	shalt  }
0x7d: {  	_ =	shalt  }
0x7e: {  	_ =	shalt  }
0x7f: {  	_ =	shalt  }
0x80: {  	_ =	shalt  }
0x81: {  	_ =	shalt  }
0x82: {  	_ =	shalt  }
0x83: {  	_ =	shalt  }
0x84: {  	_ =	shalt  }
0x85: {  	_ =	shalt  }
0x86: {  	_ =	shalt  }
0x87: {  	_ =	shalt  }
.Lfunc_end0:
.L_simem_size_0:
called_computation.1_lowered:
.L_overlay_start_0:
0x88: {  	s2 =	sld [smem:$0x3FD9]  }
0x89: {  	s3 =	sld [smem:$0x3FFE];
	_ =	sdelay $0x1  }
0x8a: {  	s1 =	srdreg.scid  }
0x8b: {  	s0 =	sand.u32 $0x1, s1  }
0x8c: {  	s17 =	sshll.u32 s0, $0xA;
	s2 =	sadd.s32 s3, s2  }
0x8d: {  	s2 =	sadd.s32 s2, s17  }
0x8e: {  	[smem:$0x3FC0] =	sst s2  }
0x8f: {  	_ = 	snop  }
0x90: {  	s2 =	sld [smem:$0x3FD0];
	(tm) =	ssettm $0x1  }
0x91: {  	s18 =	sld [smem:$0x3FFB];
	_ =	sdelay $0x3  }
0x92: {  	_ =	strace s18  }
0x93: {  	s3 =	sld [smem:$0x3FFC];
	_ =	sdelay $0x3  }
0x94: {  	_ =	strace s3  }
0x95: {  	s3 =	sld [smem:$0x3FFD];
	_ =	sdelay $0x3  }
0x96: {  	_ =	strace s3  }
0x97: {  	_ =	strace $0x8FFFFFFF  }
0x98: {  	s19 =	sld [smem:$0x3FDB];
	_ =	sdelay $0x1  }
0x99: {  	s4 =	simm.s32 $_scs_section_size  }
0x9a: {  	s5 =	simm.s32 $_size__tile_overlayer_lowered;
	s6 =	simm.s32 $_tile_overlayer_lowered  }
0x9b: {  	s22 =	simm.s32 $0x1BFF;
	s21 =	sshll.u32 s6, $0x1;
	s3 =	sadd.s32 s4, s19  }
0x9c: {  	s7 =	simm.s32 $0x0;
	s20 =	sshll.u32 s5, $0x1;
	s5 =	sadd.s32 s21, s3  }
0x9d: {  	[timem:s7], [sflag:s22] =	dma.local [hbm:s5], s20  }
0x9e: {  	_ =	swait.ge [sflag:s22], s20  }
0x9f: {  	s4 =	ssub.s32 $0x0, s20;
	[sflag:s22] =	ssyncset.done $0x0  }
0xa0: {  	[sflag:s22] =	ssyncadd.s32 s4;
	_ =	sdelay $0x1  }
0xa1: {  	s23 =	simm.s32 $0x1B8B  }
0xa2: {  	_ =	swait.ge [sflag:s23], $0x1  }
0xa3: {  	[sflag:s23] =	ssyncset.done $0x0  }
0xa4: {  	s25 =	simm.s32 $0x1B8E;
	s24 =	sld [smem:$0x3FFE];
	[sflag:s23] =	ssyncadd.s32 $0xFFFFFFFF  }
0xa5: {  	s26 =	simm.s32 $execute0_lowered;
	[smem:$0x3FD2] =	sst s25  }
0xa6: {  	s5 =	sshll.u32 s26, $0x1;
	_ =	strace $0x8000004C;
	[dreg:$0x1] =	wrdreg $0xFFFFFFFF  }
0xa7: {  	s28 =	simm.s32 $_size_execute0_lowered;
	s3 =	sadd.s32 s3, s5;
	[dreg:$0x0] =	wrdreg $0x0  }
0xa8: {  	s5 =	sshll.u32 s28, $0x1;
	[dreg:$0x2] =	wrdreg s3  }
0xa9: {  	[dreg:$0x3] =	wrdreg s5  }
0xaa: {  	[dreg:$0x4] =	wrdreg $0xC0  }
0xab: {  	_ =	task [dreg:s7], $0x5FFFF  }
0xac: {  	[dreg:$0x1] =	wrdreg $0xFFFFFFFF  }
0xad: {  	[dreg:$0x0] =	wrdreg $0x60  }
0xae: {  	[dreg:$0x2] =	wrdreg s2  }
0xaf: {  	[dreg:$0x3] =	wrdreg s24  }
0xb0: {  	[dreg:$0x4] =	wrdreg $0x9  }
0xb1: {  	_ =	task.clear_ibuf [dreg:s7], $0x5FFFF;
	_ =	strace $0x9000004C  }
0xb2: {  	s29 =	simm.s32 $0x9;
	_ =	strace $0x8000004E  }
0xb3: {  	_ =	swait.ge [sflag:s29], $0x1  }
0xb4: {  	[sflag:s29] =	ssyncadd.s32 $0xFFFFFFFF  }
0xb5: {  	_ =	strace $0x9000004E  }
0xb6: {  	_ =	sfence  }
0xb7: {  	s30 =	sld [smem:$0x0];
	_ =	sdelay $0x2  }
0xb8: {  	s31 =	sshll.u32 s1, $0xD;
	s1 =	sshrl.u32 s1, $0x2  }
0xb9: {  	s3 =	sand.u32 $0x4000, s31;
	s1 =	sadd.s32 s1, s30  }
0xba: {  	s0 =	sor.u32 s3, s0;
	s1 =	sshll.u32 s1, $0x11  }
0xbb: {  	s0 =	sor.u32 s1, s0  }
0xbc: {  	s0 =	sadd.s32 $0x8F2B, s0  }
0xbd: {  	[sflag:s0] =	ssyncadd.remote.s32 $0x1  }
0xbe: {  	_ =	sfence.sel $0xFFFF  }
0xbf: {  	[dreg:$0x0] =	wrdreg $0xFFFFFFFF;
	(pc) =	sbr.abs _section_cstart, $3  }
0xc0: {  	[dreg:$0x1] =	wrdreg $0xFFFFFFFF  }
0xc1: {  	_ =	task.clear_ibuf [dreg:s7], $0x2FFFF;
	_ =	strace $0x9FFFFFFF  }
0xc2: {  	(tm) =	ssettm $0x7FFFFFFF  }
0xc3: {  	_ =	shalt  }
tec
execute0_lowered:
.L_overlay_start_1:
0x0: {  	(tag) =	ssettag $0x1  }
0x1: {  	s2 =	rddreg [dreg:$0x0]  }
0x2: {  	s7 =	rddreg [dreg:$0x1]  }
0x3: {  	s0 =	rddreg [dreg:$0x2]  }
0x4: {  	s1 =	srdreg.scid;
	_ =	strace $0x8000004D;
	s4 =	simm.s32 $0x1  }
0x5: {  	s9 =	simm.s32 $0x3;
	s11 =	simm.s32 $0x0;
	s5 =	sshll.u32 s1, $0x4  }
.Ltmp0:
0x6: {  	s1 =	stileid.u32;
	s5 =	sand.u32 $0x10, s5;
	(pc) =	sbr.rel .LBB2_1-.Ltmp0, $4  }
0x7: {  	p0 =	por $0x0, $0x0;
	s3 =	sadd.s32 $0x1200, s7;
	s6 =	sor.u32 s1, s5  }
0x8: {  	[sflag:s4] =	ssyncpa.u1 $0x0;
	s5 =	simm.s32 $0x2;
	s6 =	sshll.u32 s6, $0x6  }
0x9: {  	s7 =	sadd.s32 $0x1400, s7;
	[sflag:s5] =	ssyncpa.u1 $0x0;
	s8 =	sadd.s32 $0x40, s6  }
0xa: {  	vm0 =	vmmov $0xff;
	[sflag:s9] =	ssyncpa.u1 $0x0;
	s10 =	smov.u32 s6;
	s9 =	simm.s32 $0x0  }
.LBB2_5:
0xb: {  	p1 =	slt.u32 s9, $0x2;
	s11 =	sadd.s32 $0x8, s10  }
0xc: {  	s13 =	smov.u32 s6;
	s9 =	sadd.s32 $0x1, s9;
	p2 =	slt.s32 s11, s8  }
0xd: {  	s13 =	smov.u32 @p2 s11;
	p2 =	sne.s32 s9, $0xA  }
.Ltmp1:
0xe: {  	_ = 	snop;
	(pc) =	sbr.rel @!p2 .LBB2_6-.Ltmp1, $4  }
0xf: {  	s12 =	simm.s32 @!p1 $0x3  }
0x10: {  	_ =	swait.ge @!p1 [sflag:s12], $0x8000  }
0x11: {  	p0 =	por !p0, !p0;
	[sflag:s12] =	ssyncset.done @!p1 $0x0  }
0x12: {  	s11 =	smov.u32 s10;
	s10 =	smov.u32 s13;
	[sflag:s12] =	ssyncadd.s32 @!p1 $0xFFFF8000  }
.LBB2_1:
0x13: {  	p1 =	sgt.u32 s9, $0x7  }
0x14: {  	s12 =	sxor.u32 @!p1 $0xFFFFFFFF, s9  }
0x15: {  	s13 =	sshrl.u32 @!p1 s10, $0x3;
	s12 =	sshll.u32 @!p1 s12, $0x3  }
0x16: {  	s14 =	sand.u32 @!p1 $0x7, s10;
	s13 =	sadd.s32 @!p1 s3, s13;
	s12 =	sand.u32 @!p1 $0x8, s12  }
0x17: {  	[tilespmem:s12], [sflag:$0x2] =	stream.linear.gather @!p1 [hbm4b:s13+s14], $0x8, $0x38;
	[tilespmem:$0x10010] =	vst v63  }
0x18: {  	p1 =	seq.s32 s9, $0x0  }
0x19: {  	p2 =	seq.s32 @!p1 s9, $0x9  }
0x1a: {  	p1 =	por p1, p2  }
.Ltmp2:
0x1b: {  	_ = 	snop;
	(pc) =	sbr.rel @p1 .LBB2_5-.Ltmp2, $1  }
0x1c: {  	_ =	sdelay $0x3  }
0x1d: {  	_ =	swait.ge [sflag:s5], $0x8  }
0x1e: {  	s12 =	sand.u32 $0x1, s9;
	[sflag:s5] =	ssyncset.done $0x0  }
0x1f: {  	s13 =	sshll.u32 s12, $0x3;
	[sflag:s5] =	ssyncadd.s32 $0xFFFFFFF8  }
0x20: {  	v0 =	vld.msk [tilespmem:s13+$0x0 ss:$0x1], $0xff;
	_ =	sdelay $0x4  }
0x21: {  	vm1 =	vgt.s32 v0, $0x0  }
0x22: {  	v0 =	vnsel vm1, $0x0, v0  }
0x23: {  	v0 =	vmin.u32 v0, $0x7FF  }
0x24: {  	v1 =	vshll.u32 v0, $0x9;
	v0 =	vshll.u32 v0, $0x4  }
0x25: {  	v1 =	vand.u32 $0xFF000, v1;
	v0 =	vand.u32 $0x70, v0  }
0x26: {  	s13 =	simm.s32 $0x1;
	v0 =	vor.u32 v0, v1  }
0x27: {  	s13 =	simm.s32 @!p0 $0x0  }
0x28: {  	s13 =	sshll.u32 s13, $0xF  }
0x29: {  	s12 =	sshll.u32 s12, $0xF;
	s13 =	sor.u32 $0x10, s13  }
0x2a: {  	s14 =	simm.s32 $0x1000;
	s12 =	sor.u32 $0x10, s12;
	s15 =	sadd.s32 $0x0, s13  }
.LBB2_3:
0x2b: {  	[tilespmem:s15], [sflag:$0x1] =	stream.indirect_vreg.gather [hbm:s2], $0x80, v0, vm0, $0x38;
	[tilespmem:$0x10010] =	vst v63  }
0x2c: {  	v0 =	vadd.s32 $0x80, v0;
	s15 =	smov.u32 s14;
	p1 =	sne.s32 s14, $0x1F000  }
.Ltmp3:
0x2d: {  	s14 =	sadd.s32 $0x1000, s14;
	(pc) =	sbr.rel @p1 .LBB2_3-.Ltmp3, $3  }
0x2e: {  	_ =	sdelay $0x1  }
0x2f: {  	s15 =	sshra.s32 s15, $0x2  }
0x30: {  	s15 =	sadd.s32 s15, s13  }
0x31: {  	_ =	sdelay $0x3  }
0x32: {  	[tilespmem:s15], [sflag:$0x1] =	stream.indirect_vreg.gather [hbm:s2], $0x80, v0, vm0, $0x38;
	[tilespmem:$0x10010] =	vst v63  }
.Ltmp4:
0x33: {  	s13 =	sshll.u32 s11, $0x4;
	(pc) =	sbr.rel .LBB2_5-.Ltmp4, $4  }
0x34: {  	s31 =	sshll.u32 s11, $0x9;
	_ =	swait.ge [sflag:s4], $0x8000;
	s13 =	sand.u32 $0x70, s13  }
0x35: {  	s11 =	sand.u32 $0xFFFFF000, s31;
	[sflag:s4] =	ssyncset.done $0x0;
	s13 =	sadd.s32 s7, s13  }
0x36: {  	[sflag:s4] =	ssyncadd.s32 $0xFFFF8000;
	s11 =	sadd.s32 s11, s13  }
0x37: {  	[hbm:s11] =	stream.linear.scatter [tilespmem:s12], [sflag:$0x3], $0x8000, $0x38;
	[tilespmem:$0x10010] =	vst v63  }
.LBB2_6:
0x38: {  	_ =	sfence.sel $0x180000  }
0x39: {  	s2 =	simm.s32 $0x2;
	[bflag:$0x0] =	sbarrier.arrive $0xFFFF  }
0x3a: {  	s30 =	simm.s32 $0x3;
	[sflag:s2] =	ssyncpa.u1 $0x1  }
0x3b: {  	s31 =	simm.s32 $0x1;
	[sflag:s30] =	ssyncpa.u1 $0x1  }
0x3c: {  	[sflag:s31] =	ssyncpa.u1 $0x1  }
0x3d: {  	p0 =	sne.s32 s1, $0x0;
	_ =	strace $0x9000004D  }
0x3e: {  	s0 =	sadd.s32 @!p0 $0x100000, s0;
	[bflag:$0x2] =	sbarrier.arrive $0xFFFF  }
0x3f: {  	[sflag:s0] =	ssyncadd.tile.s32 @!p0 $0x1;
	_ =	shalt  }
.Lfunc_end2:
_tile_overlayer_lowered:
.L_overlay_start_2:
0x40: {  	(tag) =	ssettag $0x2  }
0x41: {  	s0 =	rddreg [dreg:$0x0];
	s2 =	stileid.u32  }
0x42: {  	s1 =	rddreg [dreg:$0x1];
	p0 =	sne.s32 s2, $0x0  }
0x43: {  	s3 =	rddreg [dreg:$0x2];
	[bflag:$0x3] =	sbarrier.arrive $0xFFFF;
	s2 =	simm.s32 @!p0 $0x1C01  }
0x44: {  	[timem:s3], [sflag:s2] =	dma.local @!p0 [hbm:s0], s1  }
0x45: {  	s0 =	simm.s32 @!p0 $0x1  }
0x46: {  	_ =	swait.ge @!p0 [sflag:s0], s1  }
0x47: {  	s1 =	ssub.s32 @!p0 $0x0, s1;
	[sflag:s0] =	ssyncset.done @!p0 $0x0  }
0x48: {  	[sflag:s0] =	ssyncadd.s32 @!p0 s1  }
0x49: {  	[bflag:$0x3] =	sbarrier.arrive $0xFFFF  }
0x4a: {  	_ =	shalt  }

// kernel: gather_offload_async_start
scs
__scs_entry_jumppad:
0x0: {  	(pc) =	sbr.rel $0x88, $3  }
0x1: {  	(tag) =	ssettag $0x0;
	lr =	simm.s32 $0x1  }
0x2: {  	[smem:$0x3F99] =	sst lr;
	_ =	strace $0xD0000000  }
0x3: {  	_ = 	snop  }
0x4: {  	_ = 	snop  }
0x5: {  	_ = 	snop  }
0x6: {  	_ = 	snop  }
0x7: {  	_ = 	snop  }
__scs_overlays_trampoline_lowered:
0x8: {  	[smem:$0x3FA8] =	sst s0  }
0x9: {  	[smem:$0x3FA9] =	sst s1  }
0xa: {  	[smem:$0x3FAA] =	sst s2  }
0xb: {  	[smem:$0x3FAB] =	sst s3  }
0xc: {  	[smem:$0x3FAC] =	sst s4  }
0xd: {  	[smem:$0x3FAD] =	sst s5  }
0xe: {  	[smem:$0x3FAE] =	sst s6  }
0xf: {  	[smem:$0x3FAF] =	sst s7  }
0x10: {  	[smem:$0x3FB0] =	sst s8  }
0x11: {  	[smem:$0x3FB1] =	sst s9;
	s0 =	simm.s32 @!p0 $0x0  }
0x12: {  	s1 =	sld [smem:$0x3F97];
	s0 =	simm.s32 @p0 $0x1  }
0x13: {  	[smem:$0x3FB2] =	sst s0;
	s0 =	simm.s32 @!p1 $0x0  }
0x14: {  	s2 =	sld [smem:$0x3F96];
	s0 =	simm.s32 @p1 $0x1  }
0x15: {  	[smem:$0x3FB3] =	sst s0;
	s0 =	simm.s32 @!p2 $0x0  }
0x16: {  	s3 =	sld [smem:$0x3FDB];
	s0 =	simm.s32 @p2 $0x1  }
0x17: {  	s4 =	simm.s32 $0x1BF5;
	[smem:$0x3FB5] =	sst s0  }
0x18: {  	s0 =	sld [smem:$0x3F98];
	_ =	swait.ge [sflag:s4], $0x0  }
0x19: {  	s7 =	sld [smem:$0x3F99]  }
0x1a: {  	s8 =	sadd.s32 $0xFFFFE003, lr  }
0x1b: {  	s9 =	sadd.s32 $0xFFFFFEF7, lr;
	s5 =	simm.s32 $0xFFFFFFFF;
	p2 =	slt.u32 s8, $0xFFFFF086  }
0x1c: {  	p1 =	slt.u32 s9, $0xF7A;
	s5 =	simm.s32 @!p2 $0x0  }
0x1d: {  	s5 =	simm.s32 @p1 $0x1;
	p0 =	seq.s32 s7, s2  }
0x1e: {  	s7 =	smul.u32 @!p0 $0xF7A, s2;
	p2 =	seq.s32 @!p0 s5, $0x0  }
0x1f: {  	s9 =	smul.u32 $0xF7A, s1;
	s8 =	simm.s32 @!p0 $0x1BF5;
	p2 =	por !p2, p0  }
0x20: {  	[sflag:s8] =	ssyncset.s32 @!p0 $0xFFFFF086;
	s6 =	sadd.s32 @!p0 s3, s7;
	s7 =	simm.s32 @!p0 $0x108  }
0x21: {  	s3 =	sadd.s32 s3, s9;
	s6 =	sadd.s32 @!p0 $0x88, s6;
	s7 =	simm.s32 @p2 $0x1082  }
0x22: {  	[simem:s7], [sflag:s8] =	dma.local @!p0 [hbm:s6], $0xF7A  }
0x23: {  	s9 =	sor.u32 $0xD0000000, s2;
	s6 =	simm.s32 $0x108;
	_ =	swait.ge @!p0 [sflag:s8], $0x0  }
0x24: {  	s3 =	sadd.s32 $0x88, s3;
	s6 =	simm.s32 @!p1 $0x1082;
	[sflag:s4] =	ssyncset.s32 $0xFFFFF086  }
0x25: {  	[simem:s6], [sflag:s4] =	dma.local [hbm:s3], $0xF7A  }
0x26: {  	[smem:$0x3F99] =	sst s1;
	(tag) =	ssettag s2;
	_ =	strace s9  }
0x27: {  	s1 =	sld [smem:$0x3FA9]  }
0x28: {  	s2 =	sld [smem:$0x3FAA]  }
0x29: {  	s4 =	sld [smem:$0x3FAC]  }
0x2a: {  	p0 =	seq.s32 s5, $0x0;
	s5 =	sld [smem:$0x3FAD]  }
0x2b: {  	s6 =	sld [smem:$0x3FAE]  }
0x2c: {  	s7 =	sld [smem:$0x3FAF]  }
0x2d: {  	s3 =	simm.s32 $0x108;
	s8 =	sld [smem:$0x3FB0]  }
0x2e: {  	s3 =	simm.s32 @!p0 $0x1082;
	s9 =	sld [smem:$0x3FB1]  }
0x2f: {  	lr =	sadd.s32 s0, s3;
	s0 =	sld [smem:$0x3FA8]  }
0x30: {  	s3 =	sld [smem:$0x3FAB]  }
0x31: {  	[smem:$0x3FB4] =	sst s10  }
0x32: {  	s10 =	sld [smem:$0x3FB2];
	_ =	sdelay $0x3  }
0x33: {  	p0 =	seq.s32 s10, $0x1;
	s10 =	sld [smem:$0x3FB4];
	_ =	sdelay $0x3  }
0x34: {  	[smem:$0x3FB4] =	sst s10  }
0x35: {  	s10 =	sld [smem:$0x3FB3];
	_ =	sdelay $0x3  }
0x36: {  	p1 =	seq.s32 s10, $0x1;
	s10 =	sld [smem:$0x3FB4];
	_ =	sdelay $0x3  }
0x37: {  	[smem:$0x3FB4] =	sst s10  }
0x38: {  	s10 =	sld [smem:$0x3FB5]  }
0x39: {  	_ = 	snop;
	(pc) =	sbr.ind lr, $3  }
0x3a: {  	_ = 	snop  }
0x3b: {  	_ = 	snop  }
0x3c: {  	p2 =	seq.s32 s10, $0x1;
	s10 =	sld [smem:$0x3FB4]  }
0x3d: {  	_ =	shalt  }
0x3e: {  	_ =	shalt  }
0x3f: {  	_ =	shalt  }
0x40: {  	_ =	shalt  }
0x41: {  	_ =	shalt  }
0x42: {  	_ =	shalt  }
0x43: {  	_ =	shalt  }
0x44: {  	_ =	shalt  }
0x45: {  	_ =	shalt  }
0x46: {  	_ =	shalt  }
0x47: {  	_ =	shalt  }
0x48: {  	_ =	shalt  }
0x49: {  	_ =	shalt  }
0x4a: {  	_ =	shalt  }
0x4b: {  	_ =	shalt  }
0x4c: {  	_ =	shalt  }
0x4d: {  	_ =	shalt  }
0x4e: {  	_ =	shalt  }
0x4f: {  	_ =	shalt  }
0x50: {  	_ =	shalt  }
0x51: {  	_ =	shalt  }
0x52: {  	_ =	shalt  }
0x53: {  	_ =	shalt  }
0x54: {  	_ =	shalt  }
0x55: {  	_ =	shalt  }
0x56: {  	_ =	shalt  }
0x57: {  	_ =	shalt  }
0x58: {  	_ =	shalt  }
0x59: {  	_ =	shalt  }
0x5a: {  	_ =	shalt  }
0x5b: {  	_ =	shalt  }
0x5c: {  	_ =	shalt  }
0x5d: {  	_ =	shalt  }
0x5e: {  	_ =	shalt  }
0x5f: {  	_ =	shalt  }
0x60: {  	_ =	shalt  }
0x61: {  	_ =	shalt  }
0x62: {  	_ =	shalt  }
0x63: {  	_ =	shalt  }
0x64: {  	_ =	shalt  }
0x65: {  	_ =	shalt  }
0x66: {  	_ =	shalt  }
0x67: {  	_ =	shalt  }
0x68: {  	_ =	shalt  }
0x69: {  	_ =	shalt  }
0x6a: {  	_ =	shalt  }
0x6b: {  	_ =	shalt  }
0x6c: {  	_ =	shalt  }
0x6d: {  	_ =	shalt  }
0x6e: {  	_ =	shalt  }
0x6f: {  	_ =	shalt  }
0x70: {  	_ =	shalt  }
0x71: {  	_ =	shalt  }
0x72: {  	_ =	shalt  }
0x73: {  	_ =	shalt  }
0x74: {  	_ =	shalt  }
0x75: {  	_ =	shalt  }
0x76: {  	_ =	shalt  }
0x77: {  	_ =	shalt  }
0x78: {  	_ =	shalt  }
0x79: {  	_ =	shalt  }
0x7a: {  	_ =	shalt  }
0x7b: {  	_ =	shalt  }
0x7c: {  	_ =	shalt  }
0x7d: {  	_ =	shalt  }
0x7e: {  	_ =	shalt  }
0x7f: {  	_ =	shalt  }
0x80: {  	_ =	shalt  }
0x81: {  	_ =	shalt  }
0x82: {  	_ =	shalt  }
0x83: {  	_ =	shalt  }
0x84: {  	_ =	shalt  }
0x85: {  	_ =	shalt  }
0x86: {  	_ =	shalt  }
0x87: {  	_ =	shalt  }
.Lfunc_end0:
.L_simem_size_0:
called_computation_lowered:
.L_overlay_start_0:
0x88: {  	s2 =	sld [smem:$0x3FD9]  }
0x89: {  	s3 =	sld [smem:$0x3FFE];
	_ =	sdelay $0x1  }
0x8a: {  	s1 =	srdreg.scid  }
0x8b: {  	s0 =	sand.u32 $0x1, s1  }
0x8c: {  	s17 =	sshll.u32 s0, $0xA;
	s2 =	sadd.s32 s3, s2  }
0x8d: {  	s2 =	sadd.s32 s2, s17  }
0x8e: {  	[smem:$0x3FC0] =	sst s2  }
0x8f: {  	_ = 	snop  }
0x90: {  	s2 =	sld [smem:$0x3FD0];
	(tm) =	ssettm $0x1  }
0x91: {  	s18 =	sld [smem:$0x3FFB];
	_ =	sdelay $0x3  }
0x92: {  	_ =	strace s18  }
0x93: {  	s3 =	sld [smem:$0x3FFC];
	_ =	sdelay $0x3  }
0x94: {  	_ =	strace s3  }
0x95: {  	s3 =	sld [smem:$0x3FFD];
	_ =	sdelay $0x3  }
0x96: {  	_ =	strace s3  }
0x97: {  	_ =	strace $0x8FFFFFFF  }
0x98: {  	s19 =	sld [smem:$0x3FDB];
	_ =	sdelay $0x1  }
0x99: {  	s4 =	simm.s32 $_scs_section_size  }
0x9a: {  	s5 =	simm.s32 $_size__tile_overlayer_lowered;
	s6 =	simm.s32 $_tile_overlayer_lowered  }
0x9b: {  	s22 =	simm.s32 $0x1BFF;
	s21 =	sshll.u32 s6, $0x1;
	s3 =	sadd.s32 s4, s19  }
0x9c: {  	s7 =	simm.s32 $0x0;
	s20 =	sshll.u32 s5, $0x1;
	s5 =	sadd.s32 s21, s3  }
0x9d: {  	[timem:s7], [sflag:s22] =	dma.local [hbm:s5], s20  }
0x9e: {  	_ =	swait.ge [sflag:s22], s20  }
0x9f: {  	s4 =	ssub.s32 $0x0, s20;
	[sflag:s22] =	ssyncset.done $0x0  }
0xa0: {  	[sflag:s22] =	ssyncadd.s32 s4;
	_ =	sdelay $0x1  }
0xa1: {  	s23 =	simm.s32 $0x1B8B  }
0xa2: {  	_ =	swait.ge [sflag:s23], $0x1  }
0xa3: {  	[sflag:s23] =	ssyncset.done $0x0  }
0xa4: {  	s25 =	simm.s32 $0x1B8E;
	s24 =	sld [smem:$0x3FFE];
	[sflag:s23] =	ssyncadd.s32 $0xFFFFFFFF  }
0xa5: {  	s26 =	simm.s32 $execute0_lowered;
	[smem:$0x3FD2] =	sst s25  }
0xa6: {  	s5 =	sshll.u32 s26, $0x1;
	_ =	strace $0x80000046;
	[dreg:$0x1] =	wrdreg $0xFFFFFFFF  }
0xa7: {  	s28 =	simm.s32 $_size_execute0_lowered;
	s3 =	sadd.s32 s3, s5;
	[dreg:$0x0] =	wrdreg $0x0  }
0xa8: {  	s5 =	sshll.u32 s28, $0x1;
	[dreg:$0x2] =	wrdreg s3  }
0xa9: {  	[dreg:$0x3] =	wrdreg s5  }
0xaa: {  	[dreg:$0x4] =	wrdreg $0xC0  }
0xab: {  	_ =	task [dreg:s7], $0x5FFFF  }
0xac: {  	[dreg:$0x1] =	wrdreg $0xFFFFFFFF  }
0xad: {  	[dreg:$0x0] =	wrdreg $0x60  }
0xae: {  	[dreg:$0x2] =	wrdreg s2  }
0xaf: {  	[dreg:$0x3] =	wrdreg s24  }
0xb0: {  	[dreg:$0x4] =	wrdreg $0x9  }
0xb1: {  	_ =	task.clear_ibuf [dreg:s7], $0x5FFFF;
	_ =	strace $0x90000046  }
0xb2: {  	s29 =	simm.s32 $0x9;
	_ =	strace $0x80000048  }
0xb3: {  	_ =	swait.ge [sflag:s29], $0x1  }
0xb4: {  	[sflag:s29] =	ssyncadd.s32 $0xFFFFFFFF  }
0xb5: {  	_ =	strace $0x90000048  }
0xb6: {  	_ =	sfence  }
0xb7: {  	s30 =	sld [smem:$0x0];
	_ =	sdelay $0x2  }
0xb8: {  	s31 =	sshll.u32 s1, $0xD;
	s1 =	sshrl.u32 s1, $0x2  }
0xb9: {  	s3 =	sand.u32 $0x4000, s31;
	s1 =	sadd.s32 s1, s30  }
0xba: {  	s0 =	sor.u32 s3, s0;
	s1 =	sshll.u32 s1, $0x11  }
0xbb: {  	s0 =	sor.u32 s1, s0  }
0xbc: {  	s0 =	sadd.s32 $0x8F2B, s0  }
0xbd: {  	[sflag:s0] =	ssyncadd.remote.s32 $0x1  }
0xbe: {  	_ =	sfence.sel $0xFFFF  }
0xbf: {  	[dreg:$0x0] =	wrdreg $0xFFFFFFFF;
	(pc) =	sbr.abs _section_cstart, $3  }
0xc0: {  	[dreg:$0x1] =	wrdreg $0xFFFFFFFF  }
0xc1: {  	_ =	task.clear_ibuf [dreg:s7], $0x2FFFF;
	_ =	strace $0x9FFFFFFF  }
0xc2: {  	(tm) =	ssettm $0x7FFFFFFF  }
0xc3: {  	_ =	shalt  }
tec
execute0_lowered:
.L_overlay_start_1:
0x0: {  	(tag) =	ssettag $0x1  }
0x1: {  	s1 =	srdreg.scid;
	s2 =	rddreg [dreg:$0x0]  }
0x2: {  	s0 =	stileid.u32;
	s8 =	rddreg [dreg:$0x1]  }
0x3: {  	s5 =	simm.s32 $0x1;
	s9 =	simm.s32 $0x1;
	s1 =	sshll.u32 s1, $0x5  }
0x4: {  	s10 =	simm.s32 $0x3;
	s3 =	sshll.u32 s0, $0x6;
	s4 =	sand.u32 $0x20, s1  }
0x5: {  	s13 =	simm.s32 $0x0;
	s12 =	simm.s32 $0x0;
	s3 =	sor.u32 s3, s4  }
0x6: {  	s1 =	rddreg [dreg:$0x2];
	_ =	strace $0x80000047;
	s7 =	ssub.s32 $0x800, s3  }
.Ltmp0:
0x7: {  	s4 =	sadd.s32 $0xE00, s8;
	s6 =	sand.u32 $0x3E0, s7;
	(pc) =	sbr.rel .LBB2_1-.Ltmp0, $4  }
0x8: {  	[sflag:s5] =	ssyncpa.u1 $0x0;
	s8 =	sadd.s32 $0x1000, s8;
	p0 =	sne.s32 s6, $0x0  }
0x9: {  	s7 =	sshrl.u32 s7, $0xA;
	s6 =	simm.s32 $0x2;
	s9 =	simm.s32 @!p0 $0x0  }
0xa: {  	s11 =	smov.u32 s3;
	[sflag:s6] =	ssyncpa.u1 $0x0;
	s7 =	sadd.s32 s9, s7  }
0xb: {  	vm0 =	vmmov $0xffff;
	[sflag:s10] =	ssyncpa.u1 $0x0;
	s10 =	simm.s32 $0x0;
	s9 =	sadd.s32 $0x1, s7  }
.LBB2_5:
0xc: {  	s15 =	sadd.s32 $0x400, s11  }
0xd: {  	p1 =	sgt.s32 s15, $0x7FF  }
0xe: {  	s15 =	smov.u32 @p1 s3;
	p1 =	sne.s32 s12, s9  }
.Ltmp1:
0xf: {  	p0 =	slt.u32 s12, $0x2;
	(pc) =	sbr.rel @!p1 .LBB2_6-.Ltmp1, $4  }
0x10: {  	s14 =	simm.s32 @!p0 $0x3  }
0x11: {  	_ =	swait.ge @!p0 [sflag:s14], $0x20  }
0x12: {  	s16 =	sadd.s32 $0x1, s12;
	s13 =	smov.u32 s11;
	[sflag:s14] =	ssyncset.done @!p0 $0x0  }
0x13: {  	s12 =	smov.u32 s16;
	s11 =	smov.u32 s15;
	[sflag:s14] =	ssyncadd.s32 @!p0 $0xFFFFFFE0  }
.LBB2_1:
0x14: {  	p0 =	sge.u32 s12, s7  }
0x15: {  	s14 =	sxor.u32 @!p0 $0xFFFFFFFF, s12  }
0x16: {  	s31 =	sadd.s32 $0xFFFFFFFF, s12;
	s15 =	sshrl.u32 @!p0 s11, $0x3;
	s14 =	sshll.u32 @!p0 s14, $0x5  }
0x17: {  	s16 =	sand.u32 @!p0 $0x7, s11;
	s15 =	sadd.s32 @!p0 s4, s15;
	s14 =	sand.u32 @!p0 $0x20, s14  }
0x18: {  	[tilespmem:s14], [sflag:$0x2] =	stream.linear.gather @!p0 [hbm4b:s15+s16], $0x20, $0x38;
	[tilespmem:$0x80] =	vst v63  }
0x19: {  	p0 =	sge.u32 s31, s7  }
.Ltmp2:
0x1a: {  	_ = 	snop;
	(pc) =	sbr.rel @p0 .LBB2_5-.Ltmp2, $1  }
0x1b: {  	_ =	sdelay $0x3  }
0x1c: {  	_ =	swait.ge [sflag:s6], $0x20;
	s14 =	sshll.u32 s12, $0x5;
	s16 =	simm.s32 $0x0  }
0x1d: {  	p0 =	por $0x1, $0x1;
	[sflag:s6] =	ssyncset.done $0x0;
	s15 =	sand.u32 $0x20, s14  }
0x1e: {  	[sflag:s6] =	ssyncadd.s32 $0xFFFFFFE0;
	(ifvalue) =	ssetifvalue $0x7FFFFFFF;
	s14 =	sor.u32 $0x40, s15  }
.LBB2_3:
0x1f: {  	s17 =	sadd.s32 s16, s15  }
0x20: {  	v0 =	vld.msk [tilespmem:s17+$0x0 ss:$0x1], $0xffff;
	_ =	sdelay $0x4  }
0x21: {  	vm1 =	veq.s32 v0, $0x80000000;
	v1 =	vand.u32 $0x7FF, v0;
	v0 =	vshrl.u32 v0, $0xB  }
0x22: {  	v1 =	vsel vm1, $0xFFFFFFFF, v1;
	v0 =	vand.u32 $0x7, v0  }
0x23: {  	v0 =	vsel vm1, $0xFFFFFFFF, v0;
	v2 =	vshll.u32 v1, $0x3  }
0x24: {  	v3 =	vand.u32 $0xFFFFC000, v0;
	v2 =	vand.u32 $0xFFFFFC00, v2;
	v0 =	vshll.u32 v0, $0x7  }
0x25: {  	v2 =	vadd.s32 v2, v3;
	v0 =	vand.u32 $0x380, v0  }
0x26: {  	v1 =	vand.u32 $0x7F, v1;
	v0 =	vor.u32 v0, v2  }
0x27: {  	p1 =	por p0, p0;
	v0 =	vor.u32 v1, v0  }
.Ltmp3:
0x28: {  	_ = 	snop;
	(pc) =	sbr.rel @p1 .LBB2_3-.Ltmp3, $4  }
0x29: {  	_ = 	snop  }
0x2a: {  	s31 =	sadd.s32 s16, s14  }
0x2b: {  	s16 =	simm.s32 $0x10;
	p0 =	por $0x0, $0x0;
	(ifvalue) =	ssetifvalue $0x7FFFFFFF  }
0x2c: {  	[tilespmem:s31], [sflag:$0x1] =	stream.indirect_vreg.gather [hbm4b:s2+s10], $0x1, v0, vm0, $0x4038;
	[tilespmem:$0x80] =	vst v63  }
.Ltmp4:
0x2d: {  	(pc) =	sbr.rel .LBB2_5-.Ltmp4, $4  }
0x2e: {  	_ =	swait.ge [sflag:s5], $0x20  }
0x2f: {  	s15 =	sshrl.u32 s13, $0x3;
	[sflag:s5] =	ssyncset.done $0x0  }
0x30: {  	s31 =	sand.u32 $0x7, s13;
	s15 =	sadd.s32 s8, s15;
	[sflag:s5] =	ssyncadd.s32 $0xFFFFFFE0  }
0x31: {  	[hbm4b:s15+s31] =	stream.linear.scatter [tilespmem:s14], [sflag:$0x3], $0x20, $0x38;
	[tilespmem:$0x80] =	vst v63  }
.LBB2_6:
0x32: {  	_ =	sfence.sel $0x180000  }
0x33: {  	s2 =	simm.s32 $0x2;
	[bflag:$0x0] =	sbarrier.arrive $0xFFFF  }
0x34: {  	s30 =	simm.s32 $0x3;
	[sflag:s2] =	ssyncpa.u1 $0x1  }
0x35: {  	s31 =	simm.s32 $0x1;
	[sflag:s30] =	ssyncpa.u1 $0x1  }
0x36: {  	[sflag:s31] =	ssyncpa.u1 $0x1  }
0x37: {  	p0 =	sne.s32 s0, $0x0;
	_ =	strace $0x90000047  }
0x38: {  	s0 =	sadd.s32 @!p0 $0x100000, s1;
	[bflag:$0x2] =	sbarrier.arrive $0xFFFF  }
0x39: {  	[sflag:s0] =	ssyncadd.tile.s32 @!p0 $0x1;
	_ =	shalt  }
.Lfunc_end2:
_tile_overlayer_lowered:
.L_overlay_start_2:
0x3a: {  	(tag) =	ssettag $0x2  }
0x3b: {  	s0 =	rddreg [dreg:$0x0];
	s2 =	stileid.u32  }
0x3c: {  	s1 =	rddreg [dreg:$0x1];
	p0 =	sne.s32 s2, $0x0  }
0x3d: {  	s3 =	rddreg [dreg:$0x2];
	[bflag:$0x3] =	sbarrier.arrive $0xFFFF;
	s2 =	simm.s32 @!p0 $0x1C01  }
0x3e: {  	[timem:s3], [sflag:s2] =	dma.local @!p0 [hbm:s0], s1  }
0x3f: {  	s0 =	simm.s32 @!p0 $0x1  }
0x40: {  	_ =	swait.ge @!p0 [sflag:s0], s1  }
0x41: {  	s1 =	ssub.s32 @!p0 $0x0, s1;
	[sflag:s0] =	ssyncset.done @!p0 $0x0  }
0x42: {  	[sflag:s0] =	ssyncadd.s32 @!p0 s1  }
0x43: {  	[bflag:$0x3] =	sbarrier.arrive $0xFFFF  }
0x44: {  	_ =	shalt  }

// kernel: kernel.4.cloned.1.call-start
scs
__scs_entry_jumppad:
0x0: {  	(pc) =	sbr.rel $0x88, $3  }
0x1: {  	(tag) =	ssettag $0x0;
	lr =	simm.s32 $0x1  }
0x2: {  	[smem:$0x3F99] =	sst lr;
	_ =	strace $0xD0000000  }
0x3: {  	_ = 	snop  }
0x4: {  	_ = 	snop  }
0x5: {  	_ = 	snop  }
0x6: {  	_ = 	snop  }
0x7: {  	_ = 	snop  }
__scs_overlays_trampoline_lowered:
0x8: {  	[smem:$0x3FA8] =	sst s0  }
0x9: {  	[smem:$0x3FA9] =	sst s1  }
0xa: {  	[smem:$0x3FAA] =	sst s2  }
0xb: {  	[smem:$0x3FAB] =	sst s3  }
0xc: {  	[smem:$0x3FAC] =	sst s4  }
0xd: {  	[smem:$0x3FAD] =	sst s5  }
0xe: {  	[smem:$0x3FAE] =	sst s6  }
0xf: {  	[smem:$0x3FAF] =	sst s7  }
0x10: {  	[smem:$0x3FB0] =	sst s8  }
0x11: {  	[smem:$0x3FB1] =	sst s9;
	s0 =	simm.s32 @!p0 $0x0  }
0x12: {  	s1 =	sld [smem:$0x3F97];
	s0 =	simm.s32 @p0 $0x1  }
0x13: {  	[smem:$0x3FB2] =	sst s0;
	s0 =	simm.s32 @!p1 $0x0  }
0x14: {  	s2 =	sld [smem:$0x3F96];
	s0 =	simm.s32 @p1 $0x1  }
0x15: {  	[smem:$0x3FB3] =	sst s0;
	s0 =	simm.s32 @!p2 $0x0  }
0x16: {  	s3 =	sld [smem:$0x3FDB];
	s0 =	simm.s32 @p2 $0x1  }
0x17: {  	s4 =	simm.s32 $0x1BF5;
	[smem:$0x3FB5] =	sst s0  }
0x18: {  	s0 =	sld [smem:$0x3F98];
	_ =	swait.ge [sflag:s4], $0x0  }
0x19: {  	s7 =	sld [smem:$0x3F99]  }
0x1a: {  	s8 =	sadd.s32 $0xFFFFE003, lr  }
0x1b: {  	s9 =	sadd.s32 $0xFFFFFEF7, lr;
	s5 =	simm.s32 $0xFFFFFFFF;
	p2 =	slt.u32 s8, $0xFFFFF086  }
0x1c: {  	p1 =	slt.u32 s9, $0xF7A;
	s5 =	simm.s32 @!p2 $0x0  }
0x1d: {  	s5 =	simm.s32 @p1 $0x1;
	p0 =	seq.s32 s7, s2  }
0x1e: {  	s7 =	smul.u32 @!p0 $0xF7A, s2;
	p2 =	seq.s32 @!p0 s5, $0x0  }
0x1f: {  	s9 =	smul.u32 $0xF7A, s1;
	s8 =	simm.s32 @!p0 $0x1BF5;
	p2 =	por !p2, p0  }
0x20: {  	[sflag:s8] =	ssyncset.s32 @!p0 $0xFFFFF086;
	s6 =	sadd.s32 @!p0 s3, s7;
	s7 =	simm.s32 @!p0 $0x108  }
0x21: {  	s3 =	sadd.s32 s3, s9;
	s6 =	sadd.s32 @!p0 $0x88, s6;
	s7 =	simm.s32 @p2 $0x1082  }
0x22: {  	[simem:s7], [sflag:s8] =	dma.local @!p0 [hbm:s6], $0xF7A  }
0x23: {  	s9 =	sor.u32 $0xD0000000, s2;
	s6 =	simm.s32 $0x108;
	_ =	swait.ge @!p0 [sflag:s8], $0x0  }
0x24: {  	s3 =	sadd.s32 $0x88, s3;
	s6 =	simm.s32 @!p1 $0x1082;
	[sflag:s4] =	ssyncset.s32 $0xFFFFF086  }
0x25: {  	[simem:s6], [sflag:s4] =	dma.local [hbm:s3], $0xF7A  }
0x26: {  	[smem:$0x3F99] =	sst s1;
	(tag) =	ssettag s2;
	_ =	strace s9  }
0x27: {  	s1 =	sld [smem:$0x3FA9]  }
0x28: {  	s2 =	sld [smem:$0x3FAA]  }
0x29: {  	s4 =	sld [smem:$0x3FAC]  }
0x2a: {  	p0 =	seq.s32 s5, $0x0;
	s5 =	sld [smem:$0x3FAD]  }
0x2b: {  	s6 =	sld [smem:$0x3FAE]  }
0x2c: {  	s7 =	sld [smem:$0x3FAF]  }
0x2d: {  	s3 =	simm.s32 $0x108;
	s8 =	sld [smem:$0x3FB0]  }
0x2e: {  	s3 =	simm.s32 @!p0 $0x1082;
	s9 =	sld [smem:$0x3FB1]  }
0x2f: {  	lr =	sadd.s32 s0, s3;
	s0 =	sld [smem:$0x3FA8]  }
0x30: {  	s3 =	sld [smem:$0x3FAB]  }
0x31: {  	[smem:$0x3FB4] =	sst s10  }
0x32: {  	s10 =	sld [smem:$0x3FB2];
	_ =	sdelay $0x3  }
0x33: {  	p0 =	seq.s32 s10, $0x1;
	s10 =	sld [smem:$0x3FB4];
	_ =	sdelay $0x3  }
0x34: {  	[smem:$0x3FB4] =	sst s10  }
0x35: {  	s10 =	sld [smem:$0x3FB3];
	_ =	sdelay $0x3  }
0x36: {  	p1 =	seq.s32 s10, $0x1;
	s10 =	sld [smem:$0x3FB4];
	_ =	sdelay $0x3  }
0x37: {  	[smem:$0x3FB4] =	sst s10  }
0x38: {  	s10 =	sld [smem:$0x3FB5]  }
0x39: {  	_ = 	snop;
	(pc) =	sbr.ind lr, $3  }
0x3a: {  	_ = 	snop  }
0x3b: {  	_ = 	snop  }
0x3c: {  	p2 =	seq.s32 s10, $0x1;
	s10 =	sld [smem:$0x3FB4]  }
0x3d: {  	_ =	shalt  }
0x3e: {  	_ =	shalt  }
0x3f: {  	_ =	shalt  }
0x40: {  	_ =	shalt  }
0x41: {  	_ =	shalt  }
0x42: {  	_ =	shalt  }
0x43: {  	_ =	shalt  }
0x44: {  	_ =	shalt  }
0x45: {  	_ =	shalt  }
0x46: {  	_ =	shalt  }
0x47: {  	_ =	shalt  }
0x48: {  	_ =	shalt  }
0x49: {  	_ =	shalt  }
0x4a: {  	_ =	shalt  }
0x4b: {  	_ =	shalt  }
0x4c: {  	_ =	shalt  }
0x4d: {  	_ =	shalt  }
0x4e: {  	_ =	shalt  }
0x4f: {  	_ =	shalt  }
0x50: {  	_ =	shalt  }
0x51: {  	_ =	shalt  }
0x52: {  	_ =	shalt  }
0x53: {  	_ =	shalt  }
0x54: {  	_ =	shalt  }
0x55: {  	_ =	shalt  }
0x56: {  	_ =	shalt  }
0x57: {  	_ =	shalt  }
0x58: {  	_ =	shalt  }
0x59: {  	_ =	shalt  }
0x5a: {  	_ =	shalt  }
0x5b: {  	_ =	shalt  }
0x5c: {  	_ =	shalt  }
0x5d: {  	_ =	shalt  }
0x5e: {  	_ =	shalt  }
0x5f: {  	_ =	shalt  }
0x60: {  	_ =	shalt  }
0x61: {  	_ =	shalt  }
0x62: {  	_ =	shalt  }
0x63: {  	_ =	shalt  }
0x64: {  	_ =	shalt  }
0x65: {  	_ =	shalt  }
0x66: {  	_ =	shalt  }
0x67: {  	_ =	shalt  }
0x68: {  	_ =	shalt  }
0x69: {  	_ =	shalt  }
0x6a: {  	_ =	shalt  }
0x6b: {  	_ =	shalt  }
0x6c: {  	_ =	shalt  }
0x6d: {  	_ =	shalt  }
0x6e: {  	_ =	shalt  }
0x6f: {  	_ =	shalt  }
0x70: {  	_ =	shalt  }
0x71: {  	_ =	shalt  }
0x72: {  	_ =	shalt  }
0x73: {  	_ =	shalt  }
0x74: {  	_ =	shalt  }
0x75: {  	_ =	shalt  }
0x76: {  	_ =	shalt  }
0x77: {  	_ =	shalt  }
0x78: {  	_ =	shalt  }
0x79: {  	_ =	shalt  }
0x7a: {  	_ =	shalt  }
0x7b: {  	_ =	shalt  }
0x7c: {  	_ =	shalt  }
0x7d: {  	_ =	shalt  }
0x7e: {  	_ =	shalt  }
0x7f: {  	_ =	shalt  }
0x80: {  	_ =	shalt  }
0x81: {  	_ =	shalt  }
0x82: {  	_ =	shalt  }
0x83: {  	_ =	shalt  }
0x84: {  	_ =	shalt  }
0x85: {  	_ =	shalt  }
0x86: {  	_ =	shalt  }
0x87: {  	_ =	shalt  }
.Lfunc_end0:
.L_simem_size_0:
called_computation.2_lowered:
.L_overlay_start_0:
0x88: {  	s2 =	sld [smem:$0x3FD9]  }
0x89: {  	s3 =	sld [smem:$0x3FFE];
	_ =	sdelay $0x1  }
0x8a: {  	s1 =	srdreg.scid  }
0x8b: {  	s0 =	sand.u32 $0x1, s1  }
0x8c: {  	s17 =	sshll.u32 s0, $0xA;
	s2 =	sadd.s32 s3, s2  }
0x8d: {  	s2 =	sadd.s32 s2, s17  }
0x8e: {  	[smem:$0x3FC0] =	sst s2  }
0x8f: {  	_ = 	snop  }
0x90: {  	s2 =	sld [smem:$0x3FC9]  }
0x91: {  	s18 =	sld [smem:$0x3FD0];
	(tm) =	ssettm $0x1  }
0x92: {  	s4 =	sld [smem:$0x3FFB];
	_ =	sdelay $0x3  }
0x93: {  	_ =	strace s4  }
0x94: {  	s4 =	sld [smem:$0x3FFC];
	_ =	sdelay $0x3  }
0x95: {  	_ =	strace s4  }
0x96: {  	s4 =	sld [smem:$0x3FFD];
	_ =	sdelay $0x3  }
0x97: {  	_ =	strace s4  }
0x98: {  	_ =	strace $0x8FFFFFFF  }
0x99: {  	s19 =	sld [smem:$0x3FDB];
	_ =	sdelay $0x1  }
0x9a: {  	s5 =	simm.s32 $_scs_section_size  }
0x9b: {  	s6 =	simm.s32 $_size__tile_overlayer_lowered;
	s7 =	simm.s32 $_tile_overlayer_lowered  }
0x9c: {  	s22 =	simm.s32 $0x1BFF;
	s21 =	sshll.u32 s7, $0x1;
	s4 =	sadd.s32 s5, s19  }
0x9d: {  	s8 =	simm.s32 $0x0;
	s20 =	sshll.u32 s6, $0x1;
	s6 =	sadd.s32 s21, s4  }
0x9e: {  	[timem:s8], [sflag:s22] =	dma.local [hbm:s6], s20  }
0x9f: {  	_ =	swait.ge [sflag:s22], s20  }
0xa0: {  	s5 =	ssub.s32 $0x0, s20;
	[sflag:s22] =	ssyncset.done $0x0  }
0xa1: {  	[sflag:s22] =	ssyncadd.s32 s5;
	_ =	sdelay $0x1  }
0xa2: {  	s23 =	simm.s32 $0x1B8B  }
0xa3: {  	_ =	swait.ge [sflag:s23], $0x1  }
0xa4: {  	[sflag:s23] =	ssyncset.done $0x0  }
0xa5: {  	s25 =	simm.s32 $0x1B8E;
	s24 =	sld [smem:$0x3FFE];
	[sflag:s23] =	ssyncadd.s32 $0xFFFFFFFF  }
0xa6: {  	s26 =	simm.s32 $execute0_lowered;
	[smem:$0x3FD2] =	sst s25  }
0xa7: {  	s6 =	sshll.u32 s26, $0x1;
	_ =	strace $0x80000049;
	[dreg:$0x1] =	wrdreg $0xFFFFFFFF  }
0xa8: {  	s28 =	simm.s32 $_size_execute0_lowered;
	s4 =	sadd.s32 s4, s6;
	[dreg:$0x0] =	wrdreg $0x0  }
0xa9: {  	s6 =	sshll.u32 s28, $0x1;
	[dreg:$0x2] =	wrdreg s4  }
0xaa: {  	[dreg:$0x3] =	wrdreg s6  }
0xab: {  	[dreg:$0x4] =	wrdreg $0xC0  }
0xac: {  	_ =	task [dreg:s8], $0x5FFFF  }
0xad: {  	[dreg:$0x1] =	wrdreg $0xFFFFFFFF  }
0xae: {  	[dreg:$0x0] =	wrdreg $0x60  }
0xaf: {  	[dreg:$0x2] =	wrdreg s2  }
0xb0: {  	[dreg:$0x3] =	wrdreg s24  }
0xb1: {  	[dreg:$0x4] =	wrdreg s18  }
0xb2: {  	[dreg:$0x5] =	wrdreg $0x9  }
0xb3: {  	_ =	task.clear_ibuf [dreg:s8], $0x6FFFF;
	_ =	strace $0x90000049  }
0xb4: {  	s29 =	simm.s32 $0x9;
	_ =	strace $0x8000004B  }
0xb5: {  	_ =	swait.ge [sflag:s29], $0x1  }
0xb6: {  	[sflag:s29] =	ssyncadd.s32 $0xFFFFFFFF  }
0xb7: {  	_ =	strace $0x9000004B  }
0xb8: {  	_ =	sfence  }
0xb9: {  	s30 =	sld [smem:$0x0];
	_ =	sdelay $0x2  }
0xba: {  	s31 =	sshll.u32 s1, $0xD;
	s1 =	sshrl.u32 s1, $0x2  }
0xbb: {  	s3 =	sand.u32 $0x4000, s31;
	s1 =	sadd.s32 s1, s30  }
0xbc: {  	s0 =	sor.u32 s3, s0;
	s1 =	sshll.u32 s1, $0x11  }
0xbd: {  	s0 =	sor.u32 s1, s0  }
0xbe: {  	s0 =	sadd.s32 $0x8F2B, s0  }
0xbf: {  	[sflag:s0] =	ssyncadd.remote.s32 $0x1  }
0xc0: {  	_ =	sfence.sel $0xFFFF  }
0xc1: {  	[dreg:$0x0] =	wrdreg $0xFFFFFFFF;
	(pc) =	sbr.abs _section_cstart, $3  }
0xc2: {  	[dreg:$0x1] =	wrdreg $0xFFFFFFFF  }
0xc3: {  	_ =	task.clear_ibuf [dreg:s8], $0x2FFFF;
	_ =	strace $0x9FFFFFFF  }
0xc4: {  	(tm) =	ssettm $0x7FFFFFFF  }
0xc5: {  	_ =	shalt  }
tec
execute0_lowered:
.L_overlay_start_1:
0x0: {  	(tag) =	ssettag $0x1  }
0x1: {  	s2 =	srdreg.scid;
	s1 =	rddreg [dreg:$0x0]  }
0x2: {  	s0 =	stileid.u32;
	s4 =	rddreg [dreg:$0x1]  }
0x3: {  	s6 =	rddreg [dreg:$0x2];
	s17 =	simm.s32 $0x880;
	s18 =	simm.s32 $0x1080  }
0x4: {  	s19 =	simm.s32 $0x1880;
	s21 =	simm.s32 $0x2080;
	s2 =	sand.u32 $0x1, s2  }
0x5: {  	s22 =	simm.s32 $0x2880;
	s3 =	sshll.u32 s0, $0x4;
	s5 =	sshll.u32 s2, $0x3  }
0x6: {  	s23 =	simm.s32 $0x3880;
	s5 =	sor.u32 s5, s3;
	s3 =	simm.s32 $0x0  }
0x7: {  	s24 =	simm.s32 $0x4080;
	s25 =	simm.s32 $0x4880;
	[smem:$0x7FF] =	sst s3  }
0x8: {  	s26 =	simm.s32 $0x5080;
	_ =	strace $0x8000004A;
	[dreg:$0x8] =	wrdreg s17  }
0x9: {  	s9 =	simm.s32 $0x80;
	s10 =	simm.s32 $0x3080;
	[dreg:$0x9] =	wrdreg s18  }
0xa: {  	s12 =	simm.s32 $0x6080;
	s28 =	simm.s32 $0x4;
	[dreg:$0xa] =	wrdreg s19  }
0xb: {  	s29 =	simm.s32 $0x5;
	s30 =	simm.s32 $0x6;
	[dreg:$0xb] =	wrdreg s21  }
0xc: {  	s31 =	simm.s32 $0x7;
	s2 =	ssub.s32 $0x2, s2;
	[dreg:$0xc] =	wrdreg s22  }
0xd: {  	s20 =	sshrl.u32 s2, $0x1;
	s7 =	smul.u32 $0x300, s5;
	[dreg:$0xd] =	wrdreg s23  }
0xe: {  	s8 =	smul.u32 $0x1800, s5;
	s4 =	sadd.s32 s5, s4;
	[dreg:$0xe] =	wrdreg s24  }
0xf: {  	s2 =	ssub.s32 s2, s20;
	s20 =	simm.s32 $0xA080;
	[dreg:$0xf] =	wrdreg s25  }
0x10: {  	s5 =	sadd.s32 $0x1000, s4;
	[dreg:$0x10] =	wrdreg s26;
	s17 =	simm.s32 $0x8880  }
0x11: {  	s18 =	simm.s32 $0x9080;
	s19 =	simm.s32 $0x9880;
	s21 =	simm.s32 $0xA880  }
0x12: {  	s22 =	simm.s32 $0xB080;
	s23 =	simm.s32 $0xB880;
	s24 =	simm.s32 $0x1  }
0x13: {  	s25 =	simm.s32 $0x2;
	s26 =	simm.s32 $0x3;
	s4 =	sadd.s32 s6, s7  }
0x14: {  	s13 =	sshrl.u32 s8, $0x3;
	[dreg:$0x4] =	wrdreg s5;
	s5 =	sadd.s32 $0x100, s1  }
0x15: {  	s7 =	smax.u32 s2, $0x1;
	s8 =	simm.s32 $0x9;
	s2 =	simm.s32 $0x8  }
0x16: {  	s14 =	sadd.s32 $0x600, s4;
	s6 =	sadd.s32 s6, s13;
	s13 =	simm.s32 $0x6880  }
0x17: {  	v2 =	vlaneseq.u32;
	[dreg:$0x5] =	wrdreg s14;
	s15 =	sadd.s32 $0xC00, s6;
	s16 =	sadd.s32 $0x1200, s6  }
0x18: {  	vm0 =	vmmov $0xffff;
	v1 =	vshrl.u32 v2, $0x3;
	s6 =	sadd.s32 $0x200, s1;
	s14 =	simm.s32 $0x7080;
	[dreg:$0x6] =	wrdreg s15  }
0x19: {  	v0 =	vand.u32 $0x7, v2;
	v2 =	vor.u32 $0x8, v2;
	v1 =	vmul.u32 $0x8, v1;
	[dreg:$0x7] =	wrdreg s16;
	s15 =	simm.s32 $0x7880;
	s16 =	simm.s32 $0x8080  }
.LBB2_1:
0x1a: {  	s0 =	rddreg [dreg:$0x4]  }
0x1b: {  	[tilespmem:s3], [sflag:$0x9] =	stream.linear.gather [hbm4b:s0+s3], $0x40, $0x38;
	[tilespmem:$0xC080] =	vst v63  }
0x1c: {  	_ =	swait.ge [sflag:s8], $0x40  }
0x1d: {  	[sflag:s8] =	ssyncset.done $0x0  }
0x1e: {  	[sflag:s8] =	ssyncadd.s32 $0xFFFFFFC0  }
0x1f: {  	v3 =	vld [tilespmem:$0x0];
	_ =	sdelay $0x4  }
0x20: {  	v4 =	vshrl.u32 v3, $0x3  }
0x21: {  	v4 =	vmul.u32 $0x30, v4  }
0x22: {  	v3 =	vand.u32 $0x7, v3  }
0x23: {  	v3 =	vor.u32 v3, v4  }
0x24: {  	v4 =	vperm.xlane v3, v0;
	_ =	sdelay $0x1  }
0x25: {  	v4 =	vadd.s32 v1, v4;
	_ =	sdelay $0x3  }
0x26: {  	v3 =	vperm.xlane v3, v2  }
0x27: {  	[tilespmem:s9], [sflag:$0x1] =	stream.indirect_vreg.gather [hbm4b:s1+s3], $0x80, v4, vm0, $0xb8;
	[tilespmem:$0xC080] =	vst v63  }
0x28: {  	s0 =	rddreg [dreg:$0x8];
	v3 =	vadd.s32 v1, v3  }
0x29: {  	[tilespmem:s0], [sflag:$0x1] =	stream.indirect_vreg.gather [hbm4b:s5+s3], $0x80, v4, vm0, $0xb8;
	[tilespmem:$0xC080] =	vst v63  }
0x2a: {  	s11 =	rddreg [dreg:$0x9]  }
0x2b: {  	[tilespmem:s11], [sflag:$0x1] =	stream.indirect_vreg.gather [hbm4b:s6+s3], $0x80, v4, vm0, $0xb8;
	[tilespmem:$0xC080] =	vst v63  }
0x2c: {  	s0 =	rddreg [dreg:$0xa]  }
0x2d: {  	[tilespmem:s0], [sflag:$0x1] =	stream.indirect_vreg.gather [hbm4b:s1+s3], $0x80, v3, vm0, $0xb8;
	[tilespmem:$0xC080] =	vst v63  }
0x2e: {  	s11 =	rddreg [dreg:$0xb]  }
0x2f: {  	[tilespmem:s11], [sflag:$0x1] =	stream.indirect_vreg.gather [hbm4b:s5+s3], $0x80, v3, vm0, $0xb8;
	[tilespmem:$0xC080] =	vst v63  }
0x30: {  	s0 =	rddreg [dreg:$0xc]  }
0x31: {  	[tilespmem:s0], [sflag:$0x1] =	stream.indirect_vreg.gather [hbm4b:s6+s3], $0x80, v3, vm0, $0xb8;
	[tilespmem:$0xC080] =	vst v63  }
0x32: {  	v3 =	vld [tilespmem:$0x10];
	_ =	sdelay $0x4  }
0x33: {  	v61 =	vshrl.u32 v3, $0x3  }
0x34: {  	v4 =	vmul.u32 $0x30, v61  }
0x35: {  	v3 =	vand.u32 $0x7, v3  }
0x36: {  	v3 =	vor.u32 v3, v4  }
0x37: {  	v4 =	vperm.xlane v3, v0;
	_ =	sdelay $0x1  }
0x38: {  	v4 =	vadd.s32 v1, v4;
	_ =	sdelay $0x3  }
0x39: {  	v3 =	vperm.xlane v3, v2  }
0x3a: {  	[tilespmem:s10], [sflag:$0x2] =	stream.indirect_vreg.gather [hbm4b:s1+s3], $0x80, v4, vm0, $0xb8;
	[tilespmem:$0xC080] =	vst v63  }
0x3b: {  	s0 =	rddreg [dreg:$0xd];
	v3 =	vadd.s32 v1, v3  }
0x3c: {  	[tilespmem:s0], [sflag:$0x2] =	stream.indirect_vreg.gather [hbm4b:s5+s3], $0x80, v4, vm0, $0xb8;
	[tilespmem:$0xC080] =	vst v63  }
0x3d: {  	s11 =	rddreg [dreg:$0xe]  }
0x3e: {  	[tilespmem:s11], [sflag:$0x2] =	stream.indirect_vreg.gather [hbm4b:s6+s3], $0x80, v4, vm0, $0xb8;
	[tilespmem:$0xC080] =	vst v63  }
0x3f: {  	s0 =	rddreg [dreg:$0xf]  }
0x40: {  	[tilespmem:s0], [sflag:$0x2] =	stream.indirect_vreg.gather [hbm4b:s1+s3], $0x80, v3, vm0, $0xb8;
	[tilespmem:$0xC080] =	vst v63  }
0x41: {  	s11 =	rddreg [dreg:$0x10]  }
0x42: {  	[tilespmem:s11], [sflag:$0x2] =	stream.indirect_vreg.gather [hbm4b:s5+s3], $0x80, v3, vm0, $0xb8;
	[tilespmem:$0xC080] =	vst v63  }
0x43: {  	s11 =	simm.s32 $0x5880  }
0x44: {  	[tilespmem:s11], [sflag:$0x2] =	stream.indirect_vreg.gather [hbm4b:s6+s3], $0x80, v3, vm0, $0xb8;
	[tilespmem:$0xC080] =	vst v63  }
0x45: {  	v3 =	vld [tilespmem:$0x20];
	_ =	sdelay $0x4  }
0x46: {  	v62 =	vshrl.u32 v3, $0x3  }
0x47: {  	v4 =	vmul.u32 $0x30, v62  }
0x48: {  	v3 =	vand.u32 $0x7, v3  }
0x49: {  	v3 =	vor.u32 v3, v4  }
0x4a: {  	v4 =	vperm.xlane v3, v0;
	_ =	sdelay $0x1  }
0x4b: {  	v4 =	vadd.s32 v1, v4;
	_ =	sdelay $0x3  }
0x4c: {  	v3 =	vperm.xlane v3, v2  }
0x4d: {  	[tilespmem:s12], [sflag:$0x3] =	stream.indirect_vreg.gather [hbm4b:s1+s3], $0x80, v4, vm0, $0xb8;
	[tilespmem:$0xC080] =	vst v63  }
0x4e: {  	v3 =	vadd.s32 v1, v3  }
0x4f: {  	[tilespmem:s13], [sflag:$0x3] =	stream.indirect_vreg.gather [hbm4b:s5+s3], $0x80, v4, vm0, $0xb8;
	[tilespmem:$0xC080] =	vst v63  }
0x50: {  	_ = 	snop  }
0x51: {  	[tilespmem:s14], [sflag:$0x3] =	stream.indirect_vreg.gather [hbm4b:s6+s3], $0x80, v4, vm0, $0xb8;
	[tilespmem:$0xC080] =	vst v63  }
0x52: {  	_ = 	snop  }
0x53: {  	[tilespmem:s15], [sflag:$0x3] =	stream.indirect_vreg.gather [hbm4b:s1+s3], $0x80, v3, vm0, $0xb8;
	[tilespmem:$0xC080] =	vst v63  }
0x54: {  	_ = 	snop  }
0x55: {  	[tilespmem:s16], [sflag:$0x3] =	stream.indirect_vreg.gather [hbm4b:s5+s3], $0x80, v3, vm0, $0xb8;
	[tilespmem:$0xC080] =	vst v63  }
0x56: {  	_ = 	snop  }
0x57: {  	[tilespmem:s17], [sflag:$0x3] =	stream.indirect_vreg.gather [hbm4b:s6+s3], $0x80, v3, vm0, $0xb8;
	[tilespmem:$0xC080] =	vst v63  }
0x58: {  	v3 =	vld [tilespmem:$0x30];
	_ =	sdelay $0x4  }
0x59: {  	v63 =	vshrl.u32 v3, $0x3  }
0x5a: {  	v4 =	vmul.u32 $0x30, v63  }
0x5b: {  	v3 =	vand.u32 $0x7, v3  }
0x5c: {  	v3 =	vor.u32 v3, v4  }
0x5d: {  	v4 =	vperm.xlane v3, v0;
	_ =	sdelay $0x1  }
0x5e: {  	v4 =	vadd.s32 v1, v4;
	_ =	sdelay $0x3  }
0x5f: {  	v3 =	vperm.xlane v3, v2  }
0x60: {  	[tilespmem:s18], [sflag:$0x4] =	stream.indirect_vreg.gather [hbm4b:s1+s3], $0x80, v4, vm0, $0xb8;
	[tilespmem:$0xC080] =	vst v63  }
0x61: {  	v3 =	vadd.s32 v1, v3  }
0x62: {  	[tilespmem:s19], [sflag:$0x4] =	stream.indirect_vreg.gather [hbm4b:s5+s3], $0x80, v4, vm0, $0xb8;
	[tilespmem:$0xC080] =	vst v63  }
0x63: {  	_ = 	snop  }
0x64: {  	[tilespmem:s20], [sflag:$0x4] =	stream.indirect_vreg.gather [hbm4b:s6+s3], $0x80, v4, vm0, $0xb8;
	[tilespmem:$0xC080] =	vst v63  }
0x65: {  	_ = 	snop  }
0x66: {  	[tilespmem:s21], [sflag:$0x4] =	stream.indirect_vreg.gather [hbm4b:s1+s3], $0x80, v3, vm0, $0xb8;
	[tilespmem:$0xC080] =	vst v63  }
0x67: {  	_ = 	snop  }
0x68: {  	[tilespmem:s22], [sflag:$0x4] =	stream.indirect_vreg.gather [hbm4b:s5+s3], $0x80, v3, vm0, $0xb8;
	[tilespmem:$0xC080] =	vst v63  }
0x69: {  	_ = 	snop  }
0x6a: {  	[tilespmem:s23], [sflag:$0x4] =	stream.indirect_vreg.gather [hbm4b:s6+s3], $0x80, v3, vm0, $0xb8;
	[tilespmem:$0xC080] =	vst v63  }
0x6b: {  	_ =	swait.ge [sflag:s24], $0x3000  }
0x6c: {  	[sflag:s24] =	ssyncset.done $0x0  }
0x6d: {  	[sflag:s24] =	ssyncadd.s32 $0xFFFFD000  }
0x6e: {  	[hbm4b:s4+s3] =	stream.linear.scatter [tilespmem:s9], [sflag:$0x5], $0x3000, $0x38;
	[tilespmem:$0xC080] =	vst v63  }
0x6f: {  	_ =	swait.ge [sflag:s25], $0x3000  }
0x70: {  	[sflag:s25] =	ssyncset.done $0x0  }
0x71: {  	s11 =	rddreg [dreg:$0x5];
	[sflag:s25] =	ssyncadd.s32 $0xFFFFD000  }
0x72: {  	[hbm4b:s11+s3] =	stream.linear.scatter [tilespmem:s10], [sflag:$0x6], $0x3000, $0x38;
	[tilespmem:$0xC080] =	vst v63  }
0x73: {  	_ =	swait.ge [sflag:s26], $0x3000  }
0x74: {  	[sflag:s26] =	ssyncset.done $0x0  }
0x75: {  	s11 =	rddreg [dreg:$0x6];
	[sflag:s26] =	ssyncadd.s32 $0xFFFFD000  }
0x76: {  	[hbm4b:s11+s3] =	stream.linear.scatter [tilespmem:s12], [sflag:$0x7], $0x3000, $0x38;
	[tilespmem:$0xC080] =	vst v63  }
0x77: {  	_ =	swait.ge [sflag:s28], $0x3000  }
0x78: {  	[sflag:s28] =	ssyncset.done $0x0  }
0x79: {  	s11 =	rddreg [dreg:$0x7];
	[sflag:s28] =	ssyncadd.s32 $0xFFFFD000  }
0x7a: {  	[hbm4b:s11+s3] =	stream.linear.scatter [tilespmem:s18], [sflag:$0x8], $0x3000, $0x38;
	[tilespmem:$0xC080] =	vst v63  }
0x7b: {  	_ =	swait.ge [sflag:s29], $0x3000  }
0x7c: {  	[sflag:s29] =	ssyncset.done $0x0  }
0x7d: {  	[sflag:s29] =	ssyncadd.s32 $0xFFFFD000  }
0x7e: {  	_ =	swait.ge [sflag:s30], $0x3000  }
0x7f: {  	[sflag:s30] =	ssyncset.done $0x0  }
0x80: {  	[sflag:s30] =	ssyncadd.s32 $0xFFFFD000  }
0x81: {  	p0 =	sne.s32 s7, $0x1;
	_ =	swait.ge [sflag:s31], $0x3000  }
.Ltmp0:
0x82: {  	[sflag:s31] =	ssyncset.done $0x0;
	(pc) =	sbr.rel @p0 .LBB2_1-.Ltmp0, $4  }
0x83: {  	[sflag:s31] =	ssyncadd.s32 $0xFFFFD000  }
0x84: {  	_ =	swait.ge [sflag:s2], $0x3000  }
0x85: {  	[sflag:s2] =	ssyncset.done $0x0  }
0x86: {  	s7 =	sadd.s32 $0xFFFFFFFF, s7;
	[sflag:s2] =	ssyncadd.s32 $0xFFFFD000  }
0x87: {  	_ =	sfence.sel $0x180000  }
0x88: {  	[bflag:$0x0] =	sbarrier.arrive $0xFFFF  }
0x89: {  	_ =	strace $0x9000004A  }
0x8a: {  	s0 =	stileid.u32;
	[bflag:$0x2] =	sbarrier.arrive $0xFFFF  }
0x8b: {  	p0 =	sne.s32 s0, $0x0;
	s0 =	rddreg [dreg:$0x3]  }
0x8c: {  	s0 =	sadd.s32 @!p0 $0x100000, s0  }
0x8d: {  	[sflag:s0] =	ssyncadd.tile.s32 @!p0 $0x1;
	_ =	shalt  }
.Lfunc_end2:
_tile_overlayer_lowered:
.L_overlay_start_2:
0x8e: {  	(tag) =	ssettag $0x2  }
0x8f: {  	s0 =	rddreg [dreg:$0x0];
	s2 =	stileid.u32  }
0x90: {  	s1 =	rddreg [dreg:$0x1];
	p0 =	sne.s32 s2, $0x0  }
0x91: {  	s3 =	rddreg [dreg:$0x2];
	[bflag:$0x3] =	sbarrier.arrive $0xFFFF;
	s2 =	simm.s32 @!p0 $0x1C09  }
0x92: {  	[timem:s3], [sflag:s2] =	dma.local @!p0 [hbm:s0], s1  }
0x93: {  	s0 =	simm.s32 @!p0 $0x9  }
0x94: {  	_ =	swait.ge @!p0 [sflag:s0], s1  }
0x95: {  	s1 =	ssub.s32 @!p0 $0x0, s1;
	[sflag:s0] =	ssyncset.done @!p0 $0x0  }
0x96: {  	[sflag:s0] =	ssyncadd.s32 @!p0 s1  }
0x97: {  	[bflag:$0x3] =	sbarrier.arrive $0xFFFF  }
0x98: {  	_ =	shalt  }

</sc_bundles>
